<compile_context>
chip_gen: v7x
topology: tpu7x:2x2x1
jax: 0.10.2.dev20260603
libtpu: 0.0.44.dev20260713+nightly
codegen_flags: <defaults>
</compile_context>

<pallas_src>
import functools

import jax
import jax.numpy as jnp
from jax.experimental import pallas as pl
from jax.experimental.pallas import tpu as pltpu

TOPK = 2

_pallas_call = pl.pallas_call


def _gmm1_body(rb_ref, e_ref, lo_ref, hi_ref, first_ref, ez_ref,
               x_ref, wa_ref, wb_ref, o_ref):
    t = pl.program_id(1)
    x = x_ref[...]
    dn = (((1,), (1,)), ((), ()))
    wa = wa_ref[0].astype(jnp.bfloat16)
    wb = wb_ref[0].astype(jnp.bfloat16)
    a = jax.lax.dot_general(x, wa, dn, preferred_element_type=jnp.float32)
    b = jax.lax.dot_general(x, wb, dn, preferred_element_type=jnp.float32)
    val = ((a * jax.nn.sigmoid(a)) * b).astype(o_ref.dtype)
    bm = x.shape[0]

    @pl.when(ez_ref[t] == 1)
    def _interior():
        o_ref[...] = val

    @pl.when(ez_ref[t] == 0)
    def _boundary():
        rows = rb_ref[t] * bm + jax.lax.broadcasted_iota(jnp.int32, (bm, 1), 0)
        mask = (rows >= lo_ref[t]) & (rows < hi_ref[t])
        prev = jnp.where(first_ref[t] == 1, jnp.zeros_like(val), o_ref[...])
        o_ref[...] = jnp.where(mask, val, prev)


def _gmm2_body(rb_ref, e_ref, lo_ref, hi_ref, first_ref, ez_ref,
               h_ref, w_ref, g_ref, o_ref):
    t = pl.program_id(1)
    h = h_ref[...]
    dn = (((1,), (1,)), ((), ()))
    w = w_ref[0].astype(jnp.bfloat16)
    acc = jax.lax.dot_general(h, w, dn, preferred_element_type=jnp.float32)
    val = (acc * g_ref[...]).astype(o_ref.dtype)
    bm = h.shape[0]

    @pl.when(ez_ref[t] == 1)
    def _interior():
        o_ref[...] = val

    @pl.when(ez_ref[t] == 0)
    def _boundary():
        rows = rb_ref[t] * bm + jax.lax.broadcasted_iota(jnp.int32, (bm, 1), 0)
        mask = (rows >= lo_ref[t]) & (rows < hi_ref[t])
        prev = jnp.where(first_ref[t] == 1, jnp.zeros_like(val), o_ref[...])
        o_ref[...] = jnp.where(mask, val, prev)


def _tile_map(offsets, n_exp, s_rows, bm):
    nb = s_rows // bm
    t_total = nb + n_exp - 1
    starts = offsets[:-1]
    ends = offsets[1:]
    touches = jnp.where(ends > starts, (ends - 1) // bm - starts // bm + 1, 0)
    cum = jnp.cumsum(touches)
    m_idx = jnp.arange(t_total, dtype=jnp.int32)
    e_t = jnp.searchsorted(cum, m_idx, side="right").astype(jnp.int32)
    valid = m_idx < cum[-1]
    e_t = jnp.clip(e_t, 0, n_exp - 1)
    cum0 = jnp.concatenate([jnp.zeros((1,), cum.dtype), cum])
    rb_t = m_idx - cum0[e_t].astype(jnp.int32) + (starts[e_t] // bm).astype(jnp.int32)
    e_t = jnp.where(valid, e_t, n_exp - 1)
    rb_t = jnp.where(valid, rb_t, nb - 1)
    first_t = jnp.concatenate(
        [jnp.ones((1,), jnp.int32), (rb_t[1:] != rb_t[:-1]).astype(jnp.int32)]
    )
    lo_t = offsets[e_t].astype(jnp.int32)
    hi_t = offsets[e_t + 1].astype(jnp.int32)
    ez_t = ((lo_t <= rb_t * bm) & (hi_t >= rb_t * bm + bm)).astype(jnp.int32)
    chg_t = jnp.concatenate(
        [jnp.ones((1,), jnp.int32), (e_t[1:] != e_t[:-1]).astype(jnp.int32)]
    )
    return rb_t, e_t, lo_t, hi_t, first_t, ez_t, chg_t, t_total


def kernel(layer_input, router_w, w_in, w_out, bias):
    bsz, seq, d = layer_input.shape
    n_exp, two_h, _ = w_in.shape
    h_dim = two_h // 2
    x = layer_input.reshape(-1, d)
    n = x.shape[0]
    s = n * TOPK

    logits = (x @ router_w.T).astype(jnp.float32)
    top_k_logits, top_k_indices = jax.lax.top_k(logits, TOPK)
    top_k_gates = jax.nn.softmax(top_k_logits, axis=1)
    flat_e = top_k_indices.reshape(-1)
    order = jnp.argsort(flat_e)
    batch_index = order // TOPK
    batch_gates = top_k_gates.reshape(-1)[order]
    counts = jnp.bincount(flat_e, length=n_exp)
    offsets = jnp.concatenate(
        [jnp.zeros((1,), jnp.int32), jnp.cumsum(counts).astype(jnp.int32)]
    )

    bm = 256
    while s % bm:
        bm //= 2
    rb_t, e_t, lo_t, hi_t, first_t, ez_t, chg_t, t_total = _tile_map(
        offsets, n_exp, s, bm
    )

    xs = x[batch_index].astype(jnp.bfloat16)

    bn1 = 1408 if h_dim % 1408 == 0 else h_dim
    j1 = h_dim // bn1
    h_act = _pallas_call(
        _gmm1_body,
        grid_spec=pltpu.PrefetchScalarGridSpec(
            num_scalar_prefetch=6,
            grid=(j1, t_total),
            in_specs=[
                pl.BlockSpec((bm, d), lambda j, t, rb, e_, lo, hi, fi, ez: (rb[t], 0)),
                pl.BlockSpec(
                    (1, bn1, d), lambda j, t, rb, e_, lo, hi, fi, ez: (e_[t], j, 0)
                ),
                pl.BlockSpec(
                    (1, bn1, d),
                    lambda j, t, rb, e_, lo, hi, fi, ez: (e_[t], j1 + j, 0),
                ),
            ],
            out_specs=pl.BlockSpec(
                (bm, bn1), lambda j, t, rb, e_, lo, hi, fi, ez: (rb[t], j)
            ),
        ),
        out_shape=jax.ShapeDtypeStruct((s, h_dim), jnp.bfloat16),
        compiler_params=pltpu.CompilerParams(vmem_limit_bytes=100 * 1024 * 1024),
    )(rb_t, e_t, lo_t, hi_t, first_t, ez_t, xs, w_in, w_in)

    bn2 = 1024 if d % 1024 == 0 else d
    j2 = d // bn2
    gates2d = batch_gates.reshape(s, 1)
    eo = _pallas_call(
        _gmm2_body,
        grid_spec=pltpu.PrefetchScalarGridSpec(
            num_scalar_prefetch=6,
            grid=(j2, t_total),
            in_specs=[
                pl.BlockSpec(
                    (bm, h_dim), lambda j, t, rb, e_, lo, hi, fi, ez: (rb[t], 0)
                ),
                pl.BlockSpec(
                    (1, bn2, h_dim),
                    lambda j, t, rb, e_, lo, hi, fi, ez: (e_[t], j, 0),
                ),
                pl.BlockSpec((bm, 1), lambda j, t, rb, e_, lo, hi, fi, ez: (rb[t], 0)),
            ],
            out_specs=pl.BlockSpec(
                (bm, bn2), lambda j, t, rb, e_, lo, hi, fi, ez: (rb[t], j)
            ),
        ),
        out_shape=jax.ShapeDtypeStruct((s, d), jnp.float32),
        compiler_params=pltpu.CompilerParams(vmem_limit_bytes=100 * 1024 * 1024),
    )(rb_t, e_t, lo_t, hi_t, first_t, ez_t, h_act, w_out, gates2d)

    pos = jnp.argsort(order).reshape(n, TOPK)
    out = eo[pos[:, 0]] + eo[pos[:, 1]] + bias
    return out.reshape(bsz, seq, d)

# --- scband reference (transcript-rebuilt; emitter-appended) ---
"""Pipeline reference for scband-jet-moe-mo-e-25546465477252 (READ-ONLY COPY).

The authoritative reference and input builder live on the scoring server;
editing this copy changes nothing except your own understanding.
"""

import jax, jax.numpy as jnp
import numpy as np

E = 8
TOP_K = 2
D = 2048
H = 5632
BSZ = 2
SEQ = 2048


def setup_inputs(seed: int = 0) -> dict:
    key = jax.random.key(seed)
    ks = jax.random.split(key, 5)
    layer_input = jax.random.normal(ks[0], (BSZ, SEQ, D), dtype=jnp.float32)
    router_w = jax.random.normal(ks[1], (E, D), dtype=jnp.float32) * 0.02
    w_in = jax.random.normal(ks[2], (E, 2 * H, D), dtype=jnp.float32) * 0.02
    w_out = jax.random.normal(ks[3], (E, D, H), dtype=jnp.float32) * 0.02
    bias = jax.random.normal(ks[4], (D,), dtype=jnp.float32) * 0.02
    return {"layer_input": layer_input, "router_w": router_w, "w_in": w_in, "w_out": w_out, "bias": bias}


def reference(layer_input, router_w, w_in, w_out, bias):
    bsz, length, emb = layer_input.shape
    x = layer_input.reshape(-1, emb)
    # --- JetMoeTopKGating ---
    logits = (x @ router_w.T).astype(jnp.float32)
    top_k_logits, top_k_indices = jax.lax.top_k(logits, TOP_K)
    top_k_gates = jax.nn.softmax(top_k_logits, axis=1).astype(x.dtype)
    n_tok = x.shape[0]
    gates = jnp.zeros((n_tok, E), dtype=top_k_gates.dtype).at[jnp.arange(n_tok)[:, None], top_k_indices].set(1.0)
    top_k_experts = top_k_indices.flatten()
    index_sorted_experts = jnp.argsort(top_k_experts)
    sorted_expert_ids = top_k_experts[index_sorted_experts]
    batch_index = index_sorted_experts // TOP_K
    batch_gates = top_k_gates.flatten()[index_sorted_experts]
    # --- expert computation (JetMoeParallelExperts) ---
    expert_inputs = x[batch_index]
    hidden = jnp.zeros((expert_inputs.shape[0], w_in.shape[1]), dtype=expert_inputs.dtype)
    for i in range(E):
        hidden = jnp.where((sorted_expert_ids == i)[:, None], expert_inputs @ w_in[i].T, hidden)
    a, b = jnp.split(hidden, 2, axis=-1)
    hidden = jax.nn.silu(a) * b
    expert_outputs = jnp.zeros((hidden.shape[0], w_out.shape[1]), dtype=hidden.dtype)
    for i in range(E):
        expert_outputs = jnp.where((sorted_expert_ids == i)[:, None], hidden @ w_out[i].T, expert_outputs)
    expert_outputs = expert_outputs * batch_gates[:, None]
    layer_output = jnp.zeros((bsz * length, emb), dtype=expert_outputs.dtype).at[batch_index].add(expert_outputs)
    layer_output = layer_output.reshape(bsz, length, emb) + bias
    return layer_output

if __name__ == "__main__":
    import jax
    _d = setup_inputs()
    print(jax.jit(kernel)(*tuple(_d.values())))

</pallas_src>

<mosaic_0001>
module attributes {stable_mosaic.version = 14 : i64} {
  func.func @_gmm2_body(%arg0: i32, %arg1: i32, %arg2: memref<39xi32, #tpu.memory_space<smem>>, %arg3: memref<39xi32, #tpu.memory_space<smem>>, %arg4: memref<39xi32, #tpu.memory_space<smem>>, %arg5: memref<39xi32, #tpu.memory_space<smem>>, %arg6: memref<39xi32, #tpu.memory_space<smem>>, %arg7: memref<39xi32, #tpu.memory_space<smem>>, %arg8: memref<256x5632xbf16, #tpu.memory_space<vmem>>, %arg9: memref<1x1024x5632xf32, #tpu.memory_space<vmem>>, %arg10: memref<256x1xf32, #tpu.memory_space<vmem>>, %arg11: memref<256x1024xf32, #tpu.memory_space<vmem>>) attributes {dimension_semantics = [#tpu.dimension_semantics<arbitrary>, #tpu.dimension_semantics<arbitrary>], iteration_bounds = array<i64: 2, 39>, scalar_prefetch = 6 : i64, scratch_operands = 0 : i64, tpu.core_type = #tpu.core_type<tc>, window_params = [{transform_indices = @transform_0, window_bounds = array<i64: 256, 5632>}, {transform_indices = @transform_1, window_bounds = array<i64: 1, 1024, 5632>}, {transform_indices = @transform_2, window_bounds = array<i64: 256, 1>}, {transform_indices = @transform_3, window_bounds = array<i64: 256, 1024>}]} {
    %get3A = arith.constant 0 : index
    %get3A_0 = arith.constant 0 : index
    %get3A_1 = vector.load %arg8[%get3A, %get3A_0] : memref<256x5632xbf16, #tpu.memory_space<vmem>>, vector<256x5632xbf16>
    %get3A_2 = arith.constant 0 : index
    %get3A_3 = arith.constant 0 : index
    %get3A_4 = arith.constant 0 : index
    %get3A_5 = vector.load %arg9[%get3A_2, %get3A_3, %get3A_4] : memref<1x1024x5632xf32, #tpu.memory_space<vmem>>, vector<1x1024x5632xf32>
    %get3A_6 = vector.shape_cast %get3A_5 : vector<1x1024x5632xf32> to vector<1024x5632xf32>
    %convert_element_type3A = arith.truncf %get3A_6 : vector<1024x5632xf32> to vector<1024x5632xbf16>
    %dot_general3A = arith.constant dense<0.000000e+00> : vector<256x1024xf32>
    %dot_general3A_7 = tpu.matmul %get3A_1, %convert_element_type3A, %dot_general3A {dimension_numbers = #tpu.dot_dimension_numbers<[1], [1], [0], [0], [0, 0, 1, 0], [], []>, transpose_lhs_hint = false} : vector<256x5632xbf16>, vector<1024x5632xbf16>, vector<256x1024xf32> -> vector<256x1024xf32>
    %get3A_8 = arith.constant 0 : index
    %get3A_9 = arith.constant 0 : index
    %get3A_10 = vector.load %arg10[%get3A_8, %get3A_9] : memref<256x1xf32, #tpu.memory_space<vmem>>, vector<256x1xf32>
    %mul3A = vector.broadcast %get3A_10 : vector<256x1xf32> to vector<256x1024xf32>
    %mul3A_11 = arith.mulf %dot_general3A_7, %mul3A : vector<256x1024xf32>
    %get3A_12 = arith.index_cast %arg1 : i32 to index
    %get3A_13 = memref.load %arg7[%get3A_12] : memref<39xi32, #tpu.memory_space<smem>>
    %eq3A = arith.constant 1 : i32
    %eq3A_14 = arith.cmpi eq, %get3A_13, %eq3A : i32
    %convert_element_type3A_15 = arith.extui %eq3A_14 : i1 to i32
    %cond3A = arith.constant 0 : i32
    %cond3A_16 = arith.cmpi ne, %convert_element_type3A_15, %cond3A : i32
    scf.if %cond3A_16 {
      %swap3A = arith.constant 0 : index
      %swap3A_24 = arith.constant 0 : index
      %swap3A_25 = vector.load %arg11[%swap3A, %swap3A_24] : memref<256x1024xf32, #tpu.memory_space<vmem>>, vector<256x1024xf32>
      tpu.vector_store %arg11[%swap3A, %swap3A_24], %mul3A_11 {strides = array<i32>} : memref<256x1024xf32, #tpu.memory_space<vmem>>, vector<256x1024xf32>,
    } else {
    }
    %get3A_17 = arith.index_cast %arg1 : i32 to index
    %get3A_18 = memref.load %arg7[%get3A_17] : memref<39xi32, #tpu.memory_space<smem>>
    %eq3A_19 = arith.constant 0 : i32
    %eq3A_20 = arith.cmpi eq, %get3A_18, %eq3A_19 : i32
    %convert_element_type3A_21 = arith.extui %eq3A_20 : i1 to i32
    %cond3A_22 = arith.constant 0 : i32
    %cond3A_23 = arith.cmpi ne, %convert_element_type3A_21, %cond3A_22 : i32
    scf.if %cond3A_23 {
      %get3A_24 = arith.index_cast %arg1 : i32 to index
      %get3A_25 = memref.load %arg2[%get3A_24] : memref<39xi32, #tpu.memory_space<smem>>
      %mul3A_26 = arith.constant 256 : i32
      %mul3A_27 = arith.muli %get3A_25, %mul3A_26 : i32
      %iota3A = tpu.iota {dimensions = array<i32: 0>} : vector<256x1xi32>
      %add3A = vector.broadcast %mul3A_27 : i32 to vector<256x1xi32>
      %add3A_28 = arith.addi %add3A, %iota3A : vector<256x1xi32>
      %get3A_29 = arith.index_cast %arg1 : i32 to index
      %get3A_30 = memref.load %arg4[%get3A_29] : memref<39xi32, #tpu.memory_space<smem>>
      %ge3A = vector.broadcast %get3A_30 : i32 to vector<256x1xi32>
      %ge3A_31 = arith.cmpi sge, %add3A_28, %ge3A : vector<256x1xi32>
      %get3A_32 = arith.index_cast %arg1 : i32 to index
      %get3A_33 = memref.load %arg5[%get3A_32] : memref<39xi32, #tpu.memory_space<smem>>
      %lt3A = vector.broadcast %get3A_33 : i32 to vector<256x1xi32>
      %lt3A_34 = arith.cmpi slt, %add3A_28, %lt3A : vector<256x1xi32>
      %and3A = arith.andi %ge3A_31, %lt3A_34 : vector<256x1xi1>
      %get3A_35 = arith.index_cast %arg1 : i32 to index
      %get3A_36 = memref.load %arg6[%get3A_35] : memref<39xi32, #tpu.memory_space<smem>>
      %eq3A_37 = arith.constant 1 : i32
      %eq3A_38 = arith.cmpi eq, %get3A_36, %eq3A_37 : i32
      %broadcast_in_dim3A = arith.constant 0.000000e+00 : f32
      %broadcast_in_dim3A_39 = vector.broadcast %broadcast_in_dim3A : f32 to vector<256x1024xf32>
      %get3A_40 = arith.constant 0 : index
      %get3A_41 = arith.constant 0 : index
      %get3A_42 = vector.load %arg11[%get3A_40, %get3A_41] : memref<256x1024xf32, #tpu.memory_space<vmem>>, vector<256x1024xf32>
      %select_n3A = arith.select %eq3A_38, %broadcast_in_dim3A_39, %get3A_42 : vector<256x1024xf32>
      %broadcast_in_dim3A_43 = vector.shape_cast %and3A : vector<256x1xi1> to vector<256x1xi1>
      %broadcast_in_dim3A_44 = vector.broadcast %broadcast_in_dim3A_43 : vector<256x1xi1> to vector<256x1024xi1>
      %select_n3A_45 = arith.select %broadcast_in_dim3A_44, %mul3A_11, %select_n3A : vector<256x1024xi1>, vector<256x1024xf32>
      %swap3A = arith.constant 0 : index
      %swap3A_46 = arith.constant 0 : index
      %swap3A_47 = vector.load %arg11[%swap3A, %swap3A_46] : memref<256x1024xf32, #tpu.memory_space<vmem>>, vector<256x1024xf32>
      tpu.vector_store %arg11[%swap3A, %swap3A_46], %select_n3A_45 {strides = array<i32>} : memref<256x1024xf32, #tpu.memory_space<vmem>>, vector<256x1024xf32>,
    } else {
    }
    return
  }
  func.func @transform_0(%arg0: i32, %arg1: i32, %arg2: memref<39xi32, #tpu.memory_space<smem>>, %arg3: memref<39xi32, #tpu.memory_space<smem>>, %arg4: memref<39xi32, #tpu.memory_space<smem>>, %arg5: memref<39xi32, #tpu.memory_space<smem>>, %arg6: memref<39xi32, #tpu.memory_space<smem>>, %arg7: memref<39xi32, #tpu.memory_space<smem>>) -> (i32, i32) {
    %get3A = arith.index_cast %arg1 : i32 to index
    %get3A_0 = memref.load %arg2[%get3A] : memref<39xi32, #tpu.memory_space<smem>>
    %c0_i32 = arith.constant 0 : i32
    %c0_i32_1 = arith.constant 0 : i32
    return %get3A_0, %c0_i32 : i32, i32
  }
  func.func @transform_1(%arg0: i32, %arg1: i32, %arg2: memref<39xi32, #tpu.memory_space<smem>>, %arg3: memref<39xi32, #tpu.memory_space<smem>>, %arg4: memref<39xi32, #tpu.memory_space<smem>>, %arg5: memref<39xi32, #tpu.memory_space<smem>>, %arg6: memref<39xi32, #tpu.memory_space<smem>>, %arg7: memref<39xi32, #tpu.memory_space<smem>>) -> (i32, i32, i32) {
    %get3A = arith.index_cast %arg1 : i32 to index
    %get3A_0 = memref.load %arg3[%get3A] : memref<39xi32, #tpu.memory_space<smem>>
    %c0_i32 = arith.constant 0 : i32
    %c0_i32_1 = arith.constant 0 : i32
    return %get3A_0, %arg0, %c0_i32 : i32, i32, i32
  }
  func.func @transform_2(%arg0: i32, %arg1: i32, %arg2: memref<39xi32, #tpu.memory_space<smem>>, %arg3: memref<39xi32, #tpu.memory_space<smem>>, %arg4: memref<39xi32, #tpu.memory_space<smem>>, %arg5: memref<39xi32, #tpu.memory_space<smem>>, %arg6: memref<39xi32, #tpu.memory_space<smem>>, %arg7: memref<39xi32, #tpu.memory_space<smem>>) -> (i32, i32) {
    %get3A = arith.index_cast %arg1 : i32 to index
    %get3A_0 = memref.load %arg2[%get3A] : memref<39xi32, #tpu.memory_space<smem>>
    %c0_i32 = arith.constant 0 : i32
    %c0_i32_1 = arith.constant 0 : i32
    return %get3A_0, %c0_i32 : i32, i32
  }
  func.func @transform_3(%arg0: i32, %arg1: i32, %arg2: memref<39xi32, #tpu.memory_space<smem>>, %arg3: memref<39xi32, #tpu.memory_space<smem>>, %arg4: memref<39xi32, #tpu.memory_space<smem>>, %arg5: memref<39xi32, #tpu.memory_space<smem>>, %arg6: memref<39xi32, #tpu.memory_space<smem>>, %arg7: memref<39xi32, #tpu.memory_space<smem>>) -> (i32, i32) {
    %get3A = arith.index_cast %arg1 : i32 to index
    %get3A_0 = memref.load %arg2[%get3A] : memref<39xi32, #tpu.memory_space<smem>>
    %c0_i32 = arith.constant 0 : i32
    return %get3A_0, %arg0 : i32, i32
  }
}

module attributes {stable_mosaic.version = 14 : i64} {
  func.func @_gmm1_body(%arg0: i32, %arg1: i32, %arg2: memref<39xi32, #tpu.memory_space<smem>>, %arg3: memref<39xi32, #tpu.memory_space<smem>>, %arg4: memref<39xi32, #tpu.memory_space<smem>>, %arg5: memref<39xi32, #tpu.memory_space<smem>>, %arg6: memref<39xi32, #tpu.memory_space<smem>>, %arg7: memref<39xi32, #tpu.memory_space<smem>>, %arg8: memref<256x2048xbf16, #tpu.memory_space<vmem>>, %arg9: memref<1x1408x2048xf32, #tpu.memory_space<vmem>>, %arg10: memref<1x1408x2048xf32, #tpu.memory_space<vmem>>, %arg11: memref<256x1408xbf16, #tpu.memory_space<vmem>>) attributes {dimension_semantics = [#tpu.dimension_semantics<arbitrary>, #tpu.dimension_semantics<arbitrary>], iteration_bounds = array<i64: 4, 39>, scalar_prefetch = 6 : i64, scratch_operands = 0 : i64, tpu.core_type = #tpu.core_type<tc>, window_params = [{transform_indices = @transform_0, window_bounds = array<i64: 256, 2048>}, {transform_indices = @transform_1, window_bounds = array<i64: 1, 1408, 2048>}, {transform_indices = @transform_2, window_bounds = array<i64: 1, 1408, 2048>}, {transform_indices = @transform_3, window_bounds = array<i64: 256, 1408>}]} {
    %get3A = arith.constant 0 : index
    %get3A_0 = arith.constant 0 : index
    %get3A_1 = vector.load %arg8[%get3A, %get3A_0] : memref<256x2048xbf16, #tpu.memory_space<vmem>>, vector<256x2048xbf16>
    %get3A_2 = arith.constant 0 : index
    %get3A_3 = arith.constant 0 : index
    %get3A_4 = arith.constant 0 : index
    %get3A_5 = vector.load %arg9[%get3A_2, %get3A_3, %get3A_4] : memref<1x1408x2048xf32, #tpu.memory_space<vmem>>, vector<1x1408x2048xf32>
    %get3A_6 = vector.shape_cast %get3A_5 : vector<1x1408x2048xf32> to vector<1408x2048xf32>
    %convert_element_type3A = arith.truncf %get3A_6 : vector<1408x2048xf32> to vector<1408x2048xbf16>
    %get3A_7 = arith.constant 0 : index
    %get3A_8 = arith.constant 0 : index
    %get3A_9 = arith.constant 0 : index
    %get3A_10 = vector.load %arg10[%get3A_7, %get3A_8, %get3A_9] : memref<1x1408x2048xf32, #tpu.memory_space<vmem>>, vector<1x1408x2048xf32>
    %get3A_11 = vector.shape_cast %get3A_10 : vector<1x1408x2048xf32> to vector<1408x2048xf32>
    %convert_element_type3A_12 = arith.truncf %get3A_11 : vector<1408x2048xf32> to vector<1408x2048xbf16>
    %dot_general3A = arith.constant dense<0.000000e+00> : vector<256x1408xf32>
    %dot_general3A_13 = tpu.matmul %get3A_1, %convert_element_type3A, %dot_general3A {dimension_numbers = #tpu.dot_dimension_numbers<[1], [1], [0], [0], [0, 0, 1, 0], [], []>, transpose_lhs_hint = false} : vector<256x2048xbf16>, vector<1408x2048xbf16>, vector<256x1408xf32> -> vector<256x1408xf32>
    %dot_general3A_14 = arith.constant dense<0.000000e+00> : vector<256x1408xf32>
    %dot_general3A_15 = tpu.matmul %get3A_1, %convert_element_type3A_12, %dot_general3A_14 {dimension_numbers = #tpu.dot_dimension_numbers<[1], [1], [0], [0], [0, 0, 1, 0], [], []>, transpose_lhs_hint = false} : vector<256x2048xbf16>, vector<1408x2048xbf16>, vector<256x1408xf32> -> vector<256x1408xf32>
    %logistic3A = arith.negf %dot_general3A_13 : vector<256x1408xf32>
    %logistic3A_16 = math.exp %logistic3A : vector<256x1408xf32>
    %logistic3A_17 = arith.constant 1.000000e+00 : f32
    %logistic3A_18 = vector.broadcast %logistic3A_17 : f32 to vector<256x1408xf32>
    %logistic3A_19 = arith.addf %logistic3A_18, %logistic3A_16 : vector<256x1408xf32>
    %logistic3A_20 = arith.divf %logistic3A_18, %logistic3A_19 : vector<256x1408xf32>
    %mul3A = arith.mulf %dot_general3A_13, %logistic3A_20 : vector<256x1408xf32>
    %mul3A_21 = arith.mulf %mul3A, %dot_general3A_15 : vector<256x1408xf32>
    %convert_element_type3A_22 = arith.truncf %mul3A_21 : vector<256x1408xf32> to vector<256x1408xbf16>
    %get3A_23 = arith.index_cast %arg1 : i32 to index
    %get3A_24 = memref.load %arg7[%get3A_23] : memref<39xi32, #tpu.memory_space<smem>>
    %eq3A = arith.constant 1 : i32
    %eq3A_25 = arith.cmpi eq, %get3A_24, %eq3A : i32
    %convert_element_type3A_26 = arith.extui %eq3A_25 : i1 to i32
    %cond3A = arith.constant 0 : i32
    %cond3A_27 = arith.cmpi ne, %convert_element_type3A_26, %cond3A : i32
    scf.if %cond3A_27 {
      %swap3A = arith.constant 0 : index
      %swap3A_35 = arith.constant 0 : index
      %swap3A_36 = vector.load %arg11[%swap3A, %swap3A_35] : memref<256x1408xbf16, #tpu.memory_space<vmem>>, vector<256x1408xbf16>
      tpu.vector_store %arg11[%swap3A, %swap3A_35], %convert_element_type3A_22 {strides = array<i32>} : memref<256x1408xbf16, #tpu.memory_space<vmem>>, vector<256x1408xbf16>,
    } else {
    }
    %get3A_28 = arith.index_cast %arg1 : i32 to index
    %get3A_29 = memref.load %arg7[%get3A_28] : memref<39xi32, #tpu.memory_space<smem>>
    %eq3A_30 = arith.constant 0 : i32
    %eq3A_31 = arith.cmpi eq, %get3A_29, %eq3A_30 : i32
    %convert_element_type3A_32 = arith.extui %eq3A_31 : i1 to i32
    %cond3A_33 = arith.constant 0 : i32
    %cond3A_34 = arith.cmpi ne, %convert_element_type3A_32, %cond3A_33 : i32
    scf.if %cond3A_34 {
      %get3A_35 = arith.index_cast %arg1 : i32 to index
      %get3A_36 = memref.load %arg2[%get3A_35] : memref<39xi32, #tpu.memory_space<smem>>
      %mul3A_37 = arith.constant 256 : i32
      %mul3A_38 = arith.muli %get3A_36, %mul3A_37 : i32
      %iota3A = tpu.iota {dimensions = array<i32: 0>} : vector<256x1xi32>
      %add3A = vector.broadcast %mul3A_38 : i32 to vector<256x1xi32>
      %add3A_39 = arith.addi %add3A, %iota3A : vector<256x1xi32>
      %get3A_40 = arith.index_cast %arg1 : i32 to index
      %get3A_41 = memref.load %arg4[%get3A_40] : memref<39xi32, #tpu.memory_space<smem>>
      %ge3A = vector.broadcast %get3A_41 : i32 to vector<256x1xi32>
      %ge3A_42 = arith.cmpi sge, %add3A_39, %ge3A : vector<256x1xi32>
      %get3A_43 = arith.index_cast %arg1 : i32 to index
      %get3A_44 = memref.load %arg5[%get3A_43] : memref<39xi32, #tpu.memory_space<smem>>
      %lt3A = vector.broadcast %get3A_44 : i32 to vector<256x1xi32>
      %lt3A_45 = arith.cmpi slt, %add3A_39, %lt3A : vector<256x1xi32>
      %and3A = arith.andi %ge3A_42, %lt3A_45 : vector<256x1xi1>
      %get3A_46 = arith.index_cast %arg1 : i32 to index
      %get3A_47 = memref.load %arg6[%get3A_46] : memref<39xi32, #tpu.memory_space<smem>>
      %eq3A_48 = arith.constant 1 : i32
      %eq3A_49 = arith.cmpi eq, %get3A_47, %eq3A_48 : i32
      %broadcast_in_dim3A = arith.constant 0.000000e+00 : bf16
      %broadcast_in_dim3A_50 = vector.broadcast %broadcast_in_dim3A : bf16 to vector<256x1408xbf16>
      %get3A_51 = arith.constant 0 : index
      %get3A_52 = arith.constant 0 : index
      %get3A_53 = vector.load %arg11[%get3A_51, %get3A_52] : memref<256x1408xbf16, #tpu.memory_space<vmem>>, vector<256x1408xbf16>
      %select_n3A = arith.select %eq3A_49, %broadcast_in_dim3A_50, %get3A_53 : vector<256x1408xbf16>
      %broadcast_in_dim3A_54 = vector.shape_cast %and3A : vector<256x1xi1> to vector<256x1xi1>
      %broadcast_in_dim3A_55 = vector.broadcast %broadcast_in_dim3A_54 : vector<256x1xi1> to vector<256x1408xi1>
      %select_n3A_56 = arith.select %broadcast_in_dim3A_55, %convert_element_type3A_22, %select_n3A : vector<256x1408xi1>, vector<256x1408xbf16>
      %swap3A = arith.constant 0 : index
      %swap3A_57 = arith.constant 0 : index
      %swap3A_58 = vector.load %arg11[%swap3A, %swap3A_57] : memref<256x1408xbf16, #tpu.memory_space<vmem>>, vector<256x1408xbf16>
      tpu.vector_store %arg11[%swap3A, %swap3A_57], %select_n3A_56 {strides = array<i32>} : memref<256x1408xbf16, #tpu.memory_space<vmem>>, vector<256x1408xbf16>,
    } else {
    }
    return
  }
  func.func @transform_0(%arg0: i32, %arg1: i32, %arg2: memref<39xi32, #tpu.memory_space<smem>>, %arg3: memref<39xi32, #tpu.memory_space<smem>>, %arg4: memref<39xi32, #tpu.memory_space<smem>>, %arg5: memref<39xi32, #tpu.memory_space<smem>>, %arg6: memref<39xi32, #tpu.memory_space<smem>>, %arg7: memref<39xi32, #tpu.memory_space<smem>>) -> (i32, i32) {
    %get3A = arith.index_cast %arg1 : i32 to index
    %get3A_0 = memref.load %arg2[%get3A] : memref<39xi32, #tpu.memory_space<smem>>
    %c0_i32 = arith.constant 0 : i32
    %c0_i32_1 = arith.constant 0 : i32
    return %get3A_0, %c0_i32 : i32, i32
  }
  func.func @transform_1(%arg0: i32, %arg1: i32, %arg2: memref<39xi32, #tpu.memory_space<smem>>, %arg3: memref<39xi32, #tpu.memory_space<smem>>, %arg4: memref<39xi32, #tpu.memory_space<smem>>, %arg5: memref<39xi32, #tpu.memory_space<smem>>, %arg6: memref<39xi32, #tpu.memory_space<smem>>, %arg7: memref<39xi32, #tpu.memory_space<smem>>) -> (i32, i32, i32) {
    %get3A = arith.index_cast %arg1 : i32 to index
    %get3A_0 = memref.load %arg3[%get3A] : memref<39xi32, #tpu.memory_space<smem>>
    %c0_i32 = arith.constant 0 : i32
    %c0_i32_1 = arith.constant 0 : i32
    return %get3A_0, %arg0, %c0_i32 : i32, i32, i32
  }
  func.func @transform_2(%arg0: i32, %arg1: i32, %arg2: memref<39xi32, #tpu.memory_space<smem>>, %arg3: memref<39xi32, #tpu.memory_space<smem>>, %arg4: memref<39xi32, #tpu.memory_space<smem>>, %arg5: memref<39xi32, #tpu.memory_space<smem>>, %arg6: memref<39xi32, #tpu.memory_space<smem>>, %arg7: memref<39xi32, #tpu.memory_space<smem>>) -> (i32, i32, i32) {
    %get3A = arith.index_cast %arg1 : i32 to index
    %get3A_0 = memref.load %arg3[%get3A] : memref<39xi32, #tpu.memory_space<smem>>
    %add3A = arith.constant 4 : i32
    %add3A_1 = arith.addi %add3A, %arg0 : i32
    %c0_i32 = arith.constant 0 : i32
    %c0_i32_2 = arith.constant 0 : i32
    return %get3A_0, %add3A_1, %c0_i32 : i32, i32, i32
  }
  func.func @transform_3(%arg0: i32, %arg1: i32, %arg2: memref<39xi32, #tpu.memory_space<smem>>, %arg3: memref<39xi32, #tpu.memory_space<smem>>, %arg4: memref<39xi32, #tpu.memory_space<smem>>, %arg5: memref<39xi32, #tpu.memory_space<smem>>, %arg6: memref<39xi32, #tpu.memory_space<smem>>, %arg7: memref<39xi32, #tpu.memory_space<smem>>) -> (i32, i32) {
    %get3A = arith.index_cast %arg1 : i32 to index
    %get3A_0 = memref.load %arg2[%get3A] : memref<39xi32, #tpu.memory_space<smem>>
    %c0_i32 = arith.constant 0 : i32
    return %get3A_0, %arg0 : i32, i32
  }
}

</mosaic_0001>

<sc_bundles>
// kernel: gather_offload_async_start.1
scs
__scs_entry_jumppad:
0x0: {  	(pc) =	sbr.rel $0x88, $3  }
0x1: {  	(tag) =	ssettag $0x0;
	lr =	simm.s32 $0x1  }
0x2: {  	[smem:$0x3F9C] =	sst lr;
	_ =	strace $0xD0000000  }
0x3: {  	_ = 	snop  }
0x4: {  	_ = 	snop  }
0x5: {  	_ = 	snop  }
0x6: {  	_ = 	snop  }
0x7: {  	_ = 	snop  }
__scs_overlays_trampoline_lowered:
0x8: {  	[smem:$0x3FAB] =	sst s0  }
0x9: {  	[smem:$0x3FAC] =	sst s1  }
0xa: {  	[smem:$0x3FAD] =	sst s2  }
0xb: {  	[smem:$0x3FAE] =	sst s3  }
0xc: {  	[smem:$0x3FAF] =	sst s4  }
0xd: {  	[smem:$0x3FB0] =	sst s5  }
0xe: {  	[smem:$0x3FB1] =	sst s6  }
0xf: {  	[smem:$0x3FB2] =	sst s7  }
0x10: {  	[smem:$0x3FB3] =	sst s8  }
0x11: {  	[smem:$0x3FB4] =	sst s9;
	s0 =	simm.s32 @!p0 $0x0  }
0x12: {  	s1 =	sld [smem:$0x3F9A];
	s0 =	simm.s32 @p0 $0x1  }
0x13: {  	[smem:$0x3FB5] =	sst s0;
	s0 =	simm.s32 @!p1 $0x0  }
0x14: {  	s2 =	sld [smem:$0x3F99];
	s0 =	simm.s32 @p1 $0x1  }
0x15: {  	[smem:$0x3FB6] =	sst s0;
	s0 =	simm.s32 @!p2 $0x0  }
0x16: {  	s3 =	sld [smem:$0x3FDB];
	s0 =	simm.s32 @p2 $0x1  }
0x17: {  	s4 =	simm.s32 $0x1BF5;
	[smem:$0x3FB8] =	sst s0  }
0x18: {  	s0 =	sld [smem:$0x3F9B];
	_ =	swait.ge [sflag:s4], $0x0  }
0x19: {  	s7 =	sld [smem:$0x3F9C]  }
0x1a: {  	s8 =	sadd.s32 $0xFFFFE003, lr  }
0x1b: {  	s9 =	sadd.s32 $0xFFFFFEF7, lr;
	s5 =	simm.s32 $0xFFFFFFFF;
	p2 =	slt.u32 s8, $0xFFFFF086  }
0x1c: {  	p1 =	slt.u32 s9, $0xF7A;
	s5 =	simm.s32 @!p2 $0x0  }
0x1d: {  	s5 =	simm.s32 @p1 $0x1;
	p0 =	seq.s32 s7, s2  }
0x1e: {  	s7 =	smul.u32 @!p0 $0xF7A, s2;
	p2 =	seq.s32 @!p0 s5, $0x0  }
0x1f: {  	s9 =	smul.u32 $0xF7A, s1;
	s8 =	simm.s32 @!p0 $0x1BF5;
	p2 =	por !p2, p0  }
0x20: {  	[sflag:s8] =	ssyncset.s32 @!p0 $0xFFFFF086;
	s6 =	sadd.s32 @!p0 s3, s7;
	s7 =	simm.s32 @!p0 $0x108  }
0x21: {  	s3 =	sadd.s32 s3, s9;
	s6 =	sadd.s32 @!p0 $0x88, s6;
	s7 =	simm.s32 @p2 $0x1082  }
0x22: {  	[simem:s7], [sflag:s8] =	dma.local @!p0 [hbm:s6], $0xF7A  }
0x23: {  	s9 =	sor.u32 $0xD0000000, s2;
	s6 =	simm.s32 $0x108;
	_ =	swait.ge @!p0 [sflag:s8], $0x0  }
0x24: {  	s3 =	sadd.s32 $0x88, s3;
	s6 =	simm.s32 @!p1 $0x1082;
	[sflag:s4] =	ssyncset.s32 $0xFFFFF086  }
0x25: {  	[simem:s6], [sflag:s4] =	dma.local [hbm:s3], $0xF7A  }
0x26: {  	[smem:$0x3F9C] =	sst s1;
	(tag) =	ssettag s2;
	_ =	strace s9  }
0x27: {  	s1 =	sld [smem:$0x3FAC]  }
0x28: {  	s2 =	sld [smem:$0x3FAD]  }
0x29: {  	s4 =	sld [smem:$0x3FAF]  }
0x2a: {  	p0 =	seq.s32 s5, $0x0;
	s5 =	sld [smem:$0x3FB0]  }
0x2b: {  	s6 =	sld [smem:$0x3FB1]  }
0x2c: {  	s7 =	sld [smem:$0x3FB2]  }
0x2d: {  	s3 =	simm.s32 $0x108;
	s8 =	sld [smem:$0x3FB3]  }
0x2e: {  	s3 =	simm.s32 @!p0 $0x1082;
	s9 =	sld [smem:$0x3FB4]  }
0x2f: {  	lr =	sadd.s32 s0, s3;
	s0 =	sld [smem:$0x3FAB]  }
0x30: {  	s3 =	sld [smem:$0x3FAE]  }
0x31: {  	[smem:$0x3FB7] =	sst s10  }
0x32: {  	s10 =	sld [smem:$0x3FB5];
	_ =	sdelay $0x3  }
0x33: {  	p0 =	seq.s32 s10, $0x1;
	s10 =	sld [smem:$0x3FB7];
	_ =	sdelay $0x3  }
0x34: {  	[smem:$0x3FB7] =	sst s10  }
0x35: {  	s10 =	sld [smem:$0x3FB6];
	_ =	sdelay $0x3  }
0x36: {  	p1 =	seq.s32 s10, $0x1;
	s10 =	sld [smem:$0x3FB7];
	_ =	sdelay $0x3  }
0x37: {  	[smem:$0x3FB7] =	sst s10  }
0x38: {  	s10 =	sld [smem:$0x3FB8]  }
0x39: {  	_ = 	snop;
	(pc) =	sbr.ind lr, $3  }
0x3a: {  	_ = 	snop  }
0x3b: {  	_ = 	snop  }
0x3c: {  	p2 =	seq.s32 s10, $0x1;
	s10 =	sld [smem:$0x3FB7]  }
0x3d: {  	_ =	shalt  }
0x3e: {  	_ =	shalt  }
0x3f: {  	_ =	shalt  }
0x40: {  	_ =	shalt  }
0x41: {  	_ =	shalt  }
0x42: {  	_ =	shalt  }
0x43: {  	_ =	shalt  }
0x44: {  	_ =	shalt  }
0x45: {  	_ =	shalt  }
0x46: {  	_ =	shalt  }
0x47: {  	_ =	shalt  }
0x48: {  	_ =	shalt  }
0x49: {  	_ =	shalt  }
0x4a: {  	_ =	shalt  }
0x4b: {  	_ =	shalt  }
0x4c: {  	_ =	shalt  }
0x4d: {  	_ =	shalt  }
0x4e: {  	_ =	shalt  }
0x4f: {  	_ =	shalt  }
0x50: {  	_ =	shalt  }
0x51: {  	_ =	shalt  }
0x52: {  	_ =	shalt  }
0x53: {  	_ =	shalt  }
0x54: {  	_ =	shalt  }
0x55: {  	_ =	shalt  }
0x56: {  	_ =	shalt  }
0x57: {  	_ =	shalt  }
0x58: {  	_ =	shalt  }
0x59: {  	_ =	shalt  }
0x5a: {  	_ =	shalt  }
0x5b: {  	_ =	shalt  }
0x5c: {  	_ =	shalt  }
0x5d: {  	_ =	shalt  }
0x5e: {  	_ =	shalt  }
0x5f: {  	_ =	shalt  }
0x60: {  	_ =	shalt  }
0x61: {  	_ =	shalt  }
0x62: {  	_ =	shalt  }
0x63: {  	_ =	shalt  }
0x64: {  	_ =	shalt  }
0x65: {  	_ =	shalt  }
0x66: {  	_ =	shalt  }
0x67: {  	_ =	shalt  }
0x68: {  	_ =	shalt  }
0x69: {  	_ =	shalt  }
0x6a: {  	_ =	shalt  }
0x6b: {  	_ =	shalt  }
0x6c: {  	_ =	shalt  }
0x6d: {  	_ =	shalt  }
0x6e: {  	_ =	shalt  }
0x6f: {  	_ =	shalt  }
0x70: {  	_ =	shalt  }
0x71: {  	_ =	shalt  }
0x72: {  	_ =	shalt  }
0x73: {  	_ =	shalt  }
0x74: {  	_ =	shalt  }
0x75: {  	_ =	shalt  }
0x76: {  	_ =	shalt  }
0x77: {  	_ =	shalt  }
0x78: {  	_ =	shalt  }
0x79: {  	_ =	shalt  }
0x7a: {  	_ =	shalt  }
0x7b: {  	_ =	shalt  }
0x7c: {  	_ =	shalt  }
0x7d: {  	_ =	shalt  }
0x7e: {  	_ =	shalt  }
0x7f: {  	_ =	shalt  }
0x80: {  	_ =	shalt  }
0x81: {  	_ =	shalt  }
0x82: {  	_ =	shalt  }
0x83: {  	_ =	shalt  }
0x84: {  	_ =	shalt  }
0x85: {  	_ =	shalt  }
0x86: {  	_ =	shalt  }
0x87: {  	_ =	shalt  }
.Lfunc_end0:
.L_simem_size_0:
called_computation.2_lowered:
.L_overlay_start_0:
0x88: {  	s2 =	sld [smem:$0x3FD9]  }
0x89: {  	s3 =	sld [smem:$0x3FFE];
	_ =	sdelay $0x1  }
0x8a: {  	s1 =	srdreg.scid  }
0x8b: {  	s0 =	sand.u32 $0x1, s1  }
0x8c: {  	s17 =	sshll.u32 s0, $0xA;
	s2 =	sadd.s32 s3, s2  }
0x8d: {  	s2 =	sadd.s32 s2, s17  }
0x8e: {  	[smem:$0x3FC3] =	sst s2  }
0x8f: {  	_ = 	snop  }
0x90: {  	s18 =	sld [smem:$0x3FD0];
	(tm) =	ssettm $0x1  }
0x91: {  	s19 =	sld [smem:$0x3FFB];
	_ =	sdelay $0x3  }
0x92: {  	_ =	strace s19  }
0x93: {  	s2 =	sld [smem:$0x3FFC];
	_ =	sdelay $0x3  }
0x94: {  	_ =	strace s2  }
0x95: {  	s2 =	sld [smem:$0x3FFD];
	_ =	sdelay $0x3  }
0x96: {  	_ =	strace s2  }
0x97: {  	_ =	strace $0x8FFFFFFF  }
0x98: {  	s20 =	sld [smem:$0x3FDB];
	_ =	sdelay $0x1  }
0x99: {  	s4 =	simm.s32 $_scs_section_size  }
0x9a: {  	s5 =	simm.s32 $_size__tile_overlayer_lowered;
	s6 =	simm.s32 $_tile_overlayer_lowered  }
0x9b: {  	s7 =	simm.s32 $0x1BFF;
	s21 =	sshll.u32 s6, $0x1;
	s4 =	sadd.s32 s4, s20  }
0x9c: {  	s22 =	simm.s32 $0x0;
	s5 =	sshll.u32 s5, $0x1;
	s6 =	sadd.s32 s21, s4  }
0x9d: {  	[timem:s22], [sflag:s7] =	dma.local [hbm:s6], s5  }
0x9e: {  	_ =	swait.ge [sflag:s7], s5  }
0x9f: {  	s5 =	ssub.s32 $0x0, s5;
	[sflag:s7] =	ssyncset.done $0x0  }
0xa0: {  	[sflag:s7] =	ssyncadd.s32 s5;
	_ =	sdelay $0x1  }
0xa1: {  	s23 =	simm.s32 $0x1B8B  }
0xa2: {  	_ =	swait.ge [sflag:s23], $0x1  }
0xa3: {  	[sflag:s23] =	ssyncset.done $0x0  }
0xa4: {  	[sflag:s23] =	ssyncadd.s32 $0xFFFFFFFF  }
0xa5: {  	s5 =	sld [smem:$0x0]  }
0xa6: {  	s6 =	sand.u32 $0xFFFFFFFE, s1  }
0xa7: {  	p0 =	sne.s32 s1, s6  }
0xa8: {  	s6 =	sshll.u32 @p0 s6, $0xE  }
0xa9: {  	s6 =	sadd.s32 @p0 $0x11B8D, s6;
	s7 =	sshll.u32 @p0 s5, $0x11  }
0xaa: {  	s6 =	sor.u32 @p0 s7, s6  }
0xab: {  	[sflag:s6] =	ssyncadd.remote.s32 @p0 $0x1;
	_ =	sdelay $0x1  }
0xac: {  	s6 =	simm.s32 @p0 $0x1B8D  }
0xad: {  	_ =	swait.eq @p0 [sflag:s6], $0x1  }
0xae: {  	[sflag:s6] =	ssyncadd.s32 @p0 $0xFFFFFFFF  }
0xaf: {  	s7 =	sshll.u32 @!p0 s1, $0xE  }
0xb0: {  	s7 =	sor.u32 @!p0 $0x4000, s7;
	s6 =	simm.s32 @!p0 $0x1B8D  }
0xb1: {  	s5 =	sshll.u32 @!p0 s5, $0x11;
	s7 =	sadd.s32 @!p0 $0x11B8D, s7;
	_ =	swait.eq @!p0 [sflag:s6], $0x1  }
0xb2: {  	s5 =	sor.u32 @!p0 s5, s7;
	[sflag:s6] =	ssyncadd.s32 @!p0 $0xFFFFFFFF  }
0xb3: {  	s25 =	simm.s32 $0x1B8E;
	s24 =	sld [smem:$0x3FFE];
	[sflag:s5] =	ssyncadd.remote.s32 @!p0 $0x1  }
0xb4: {  	s26 =	simm.s32 $execute0_lowered;
	[smem:$0x3FD2] =	sst s25  }
0xb5: {  	s6 =	sshll.u32 s26, $0x1;
	_ =	strace $0x8000004F;
	[dreg:$0x1] =	wrdreg $0xFFFFFFFF  }
0xb6: {  	s28 =	simm.s32 $_size_execute0_lowered;
	s4 =	sadd.s32 s4, s6;
	[dreg:$0x0] =	wrdreg $0x0  }
0xb7: {  	s6 =	sshll.u32 s28, $0x1;
	[dreg:$0x2] =	wrdreg s4  }
0xb8: {  	[dreg:$0x3] =	wrdreg s6  }
0xb9: {  	[dreg:$0x4] =	wrdreg $0xC0  }
0xba: {  	_ =	task [dreg:s22], $0x5FFFF  }
0xbb: {  	[dreg:$0x1] =	wrdreg $0xFFFFFFFF  }
0xbc: {  	[dreg:$0x0] =	wrdreg $0x60  }
0xbd: {  	[dreg:$0x2] =	wrdreg s24  }
0xbe: {  	[dreg:$0x3] =	wrdreg s18  }
0xbf: {  	[dreg:$0x4] =	wrdreg $0x9  }
0xc0: {  	_ =	task.clear_ibuf [dreg:s22], $0x5FFFF;
	_ =	strace $0x9000004F  }
0xc1: {  	s29 =	simm.s32 $0x9;
	_ =	strace $0x80000051  }
0xc2: {  	_ =	swait.ge [sflag:s29], $0x1  }
0xc3: {  	[sflag:s29] =	ssyncadd.s32 $0xFFFFFFFF  }
0xc4: {  	_ =	strace $0x90000051  }
0xc5: {  	_ =	sfence  }
0xc6: {  	s30 =	sld [smem:$0x0];
	_ =	sdelay $0x2  }
0xc7: {  	s31 =	sshll.u32 s1, $0xD;
	s1 =	sshrl.u32 s1, $0x2  }
0xc8: {  	s4 =	sand.u32 $0x4000, s31;
	s1 =	sadd.s32 s1, s30  }
0xc9: {  	s0 =	sor.u32 s4, s0;
	s1 =	sshll.u32 s1, $0x11  }
0xca: {  	s0 =	sor.u32 s1, s0  }
0xcb: {  	s0 =	sadd.s32 $0x8F2B, s0  }
0xcc: {  	[sflag:s0] =	ssyncadd.remote.s32 $0x1  }
0xcd: {  	_ =	sfence.sel $0xFFFF  }
0xce: {  	[dreg:$0x0] =	wrdreg $0xFFFFFFFF;
	(pc) =	sbr.abs _section_cstart, $3  }
0xcf: {  	[dreg:$0x1] =	wrdreg $0xFFFFFFFF  }
0xd0: {  	_ =	task.clear_ibuf [dreg:s22], $0x2FFFF;
	_ =	strace $0x9FFFFFFF  }
0xd1: {  	(tm) =	ssettm $0x7FFFFFFF  }
tec
execute0_lowered:
.L_overlay_start_1:
0x0: {  	(tag) =	ssettag $0x1  }
0x1: {  	s7 =	rddreg [dreg:$0x0]  }
0x2: {  	s2 =	rddreg [dreg:$0x1]  }
0x3: {  	s0 =	rddreg [dreg:$0x2]  }
0x4: {  	s1 =	srdreg.scid;
	_ =	strace $0x80000050;
	s4 =	simm.s32 $0x1  }
0x5: {  	s9 =	simm.s32 $0x3;
	s11 =	simm.s32 $0x0;
	s5 =	sshll.u32 s1, $0x4  }
.Ltmp0:
0x6: {  	s1 =	stileid.u32;
	s5 =	sand.u32 $0x10, s5;
	(pc) =	sbr.rel .LBB2_1-.Ltmp0, $4  }
0x7: {  	p0 =	por $0x0, $0x0;
	s3 =	sadd.s32 $0x2E1C00, s7;
	s6 =	sor.u32 s1, s5  }
0x8: {  	[sflag:s4] =	ssyncpa.u1 $0x0;
	s5 =	simm.s32 $0x2;
	s6 =	sshll.u32 s6, $0x7  }
0x9: {  	s7 =	sadd.s32 $0x1A00, s7;
	[sflag:s5] =	ssyncpa.u1 $0x0;
	s8 =	sadd.s32 $0x80, s6  }
0xa: {  	vm0 =	vmmov $0xff;
	vm1 =	vcmask $0x3F20;
	[sflag:s9] =	ssyncpa.u1 $0x0;
	s10 =	smov.u32 s6;
	s9 =	simm.s32 $0x0  }
.LBB2_5:
0xb: {  	p1 =	slt.u32 s9, $0x2;
	s11 =	sadd.s32 $0x10, s10  }
0xc: {  	s13 =	smov.u32 s6;
	s9 =	sadd.s32 $0x1, s9;
	p2 =	slt.s32 s11, s8  }
0xd: {  	s13 =	smov.u32 @p2 s11;
	p2 =	sne.s32 s9, $0xA  }
.Ltmp1:
0xe: {  	_ = 	snop;
	(pc) =	sbr.rel @!p2 .LBB2_6-.Ltmp1, $4  }
0xf: {  	s12 =	simm.s32 @!p1 $0x3  }
0x10: {  	_ =	swait.ge @!p1 [sflag:s12], $0x8000  }
0x11: {  	p0 =	por !p0, !p0;
	[sflag:s12] =	ssyncset.done @!p1 $0x0  }
0x12: {  	s11 =	smov.u32 s10;
	s10 =	smov.u32 s13;
	[sflag:s12] =	ssyncadd.s32 @!p1 $0xFFFF8000  }
.LBB2_1:
0x13: {  	p1 =	sgt.u32 s9, $0x7  }
0x14: {  	s12 =	sxor.u32 @!p1 $0xFFFFFFFF, s9  }
0x15: {  	s13 =	sshrl.u32 @!p1 s10, $0x3;
	s12 =	sshll.u32 @!p1 s12, $0x4  }
0x16: {  	s14 =	sand.u32 @!p1 $0x7, s10;
	s13 =	sadd.s32 @!p1 s7, s13;
	s12 =	sand.u32 @!p1 $0x10, s12  }
0x17: {  	[tilespmem:s12], [sflag:$0x2] =	stream.linear.gather @!p1 [hbm4b:s13+s14], $0x10, $0x38;
	[tilespmem:$0x10020] =	vst v63  }
0x18: {  	p1 =	seq.s32 s9, $0x0  }
0x19: {  	p2 =	seq.s32 @!p1 s9, $0x9  }
0x1a: {  	p1 =	por p1, p2  }
.Ltmp2:
0x1b: {  	_ = 	snop;
	(pc) =	sbr.rel @p1 .LBB2_5-.Ltmp2, $1  }
0x1c: {  	_ =	sdelay $0x3  }
0x1d: {  	_ =	swait.ge [sflag:s5], $0x10  }
0x1e: {  	s12 =	sand.u32 $0x1, s9;
	[sflag:s5] =	ssyncset.done $0x0  }
0x1f: {  	s13 =	sshll.u32 s12, $0x4;
	[sflag:s5] =	ssyncadd.s32 $0xFFFFFFF0  }
0x20: {  	v0 =	vld.msk [tilespmem:s13+$0x0 ss:$0x1], $0xffff;
	_ =	sdelay $0x4  }
0x21: {  	vm2 =	vgt.s32 v0, $0x0  }
0x22: {  	v0 =	vnsel vm2, $0x0, v0  }
0x23: {  	v0 =	vmin.u32 v0, $0x1FFF  }
0x24: {  	v1 =	vshll.u32 v0, $0x8;
	v0 =	vshll.u32 v0, $0x4  }
0x25: {  	v1 =	vand.u32 $0x1FF800, v1;
	v0 =	vand.u32 $0x70, v0  }
0x26: {  	s13 =	simm.s32 $0x1;
	v0 =	vor.u32 v0, v1  }
0x27: {  	s13 =	simm.s32 @!p0 $0x0  }
0x28: {  	s13 =	sshll.u32 s13, $0xF  }
0x29: {  	s14 =	sor.u32 $0x20, s13  }
0x2a: {  	s12 =	sshll.u32 s12, $0xF;
	s16 =	sadd.s32 $0x0, s14  }
0x2b: {  	[tilespmem:s16], [sflag:$0x1] =	stream.indirect_vreg.gather [hbm:s3], $0x80, v0, vm0, $0x38;
	[tilespmem:$0x10020] =	vst v63  }
0x2c: {  	s15 =	simm.s32 $0x1000;
	s13 =	sor.u32 $0x20, s12;
	v1 =	vadd.s32 $0x80, v0;
	s16 =	sadd.s32 $0x4000, s16  }
.LBB2_3:
0x2d: {  	[tilespmem:s16], [sflag:$0x1] =	stream.indirect_vreg.gather [hbm:s3], $0x80, v0, vm1, $0x38;
	[tilespmem:$0x10020] =	vst v63  }
0x2e: {  	v0 =	vmov v1;
	s16 =	smov.u32 s15;
	p1 =	sne.s32 s15, $0xF000  }
.Ltmp3:
0x2f: {  	s15 =	sadd.s32 $0x1000, s15;
	(pc) =	sbr.rel @p1 .LBB2_3-.Ltmp3, $4  }
0x30: {  	s16 =	sshra.s32 s16, $0x2  }
0x31: {  	s16 =	sadd.s32 s16, s14  }
0x32: {  	[tilespmem:s16], [sflag:$0x1] =	stream.indirect_vreg.gather [hbm:s3], $0x80, v1, vm0, $0x38;
	[tilespmem:$0x10020] =	vst v63  }
0x33: {  	s16 =	sadd.s32 $0x4000, s16;
	v1 =	vadd.s32 $0x80, v1  }
0x34: {  	_ =	sdelay $0x3  }
0x35: {  	[tilespmem:s16], [sflag:$0x1] =	stream.indirect_vreg.gather [hbm:s3], $0x80, v0, vm1, $0x38;
	[tilespmem:$0x10020] =	vst v63  }
0x36: {  	s14 =	sshll.u32 s11, $0x4;
	s31 =	sshll.u32 s11, $0x8  }
0x37: {  	_ =	swait.ge [sflag:s4], $0x8000;
	s14 =	sand.u32 $0x70, s14;
	s11 =	sand.u32 $0xFFFFF800, s31  }
.Ltmp4:
0x38: {  	[sflag:s4] =	ssyncset.done $0x0;
	s14 =	sadd.s32 s2, s14;
	(pc) =	sbr.rel .LBB2_5-.Ltmp4, $4  }
0x39: {  	[sflag:s4] =	ssyncadd.s32 $0xFFFF8000;
	s11 =	sadd.s32 s11, s14  }
0x3a: {  	[hbm:s11] =	stream.linear.scatter [tilespmem:s13], [sflag:$0x3], $0x4000, $0x38;
	[tilespmem:$0x10020] =	vst v63  }
0x3b: {  	s12 =	sadd.s32 $0x4020, s12;
	s11 =	sadd.s32 $0x800, s11  }
0x3c: {  	[hbm:s11] =	stream.linear.scatter [tilespmem:s12], [sflag:$0x3], $0x4000, $0x38;
	[tilespmem:$0x10020] =	vst v63  }
.LBB2_6:
0x3d: {  	_ =	sfence.sel $0x180000  }
0x3e: {  	s2 =	simm.s32 $0x2;
	[bflag:$0x0] =	sbarrier.arrive $0xFFFF  }
0x3f: {  	s30 =	simm.s32 $0x3;
	[sflag:s2] =	ssyncpa.u1 $0x1  }
0x40: {  	s31 =	simm.s32 $0x1;
	[sflag:s30] =	ssyncpa.u1 $0x1  }
0x41: {  	[sflag:s31] =	ssyncpa.u1 $0x1  }
0x42: {  	p0 =	sne.s32 s1, $0x0;
	_ =	strace $0x90000050  }
0x43: {  	s0 =	sadd.s32 @!p0 $0x100000, s0;
	[bflag:$0x2] =	sbarrier.arrive $0xFFFF  }
0x44: {  	[sflag:s0] =	ssyncadd.tile.s32 @!p0 $0x1;
	_ =	shalt  }
.Lfunc_end2:
_tile_overlayer_lowered:
.L_overlay_start_2:
0x45: {  	(tag) =	ssettag $0x2  }
0x46: {  	s0 =	rddreg [dreg:$0x0];
	s2 =	stileid.u32  }
0x47: {  	s1 =	rddreg [dreg:$0x1];
	p0 =	sne.s32 s2, $0x0  }
0x48: {  	s3 =	rddreg [dreg:$0x2];
	[bflag:$0x3] =	sbarrier.arrive $0xFFFF;
	s2 =	simm.s32 @!p0 $0x1C01  }
0x49: {  	[timem:s3], [sflag:s2] =	dma.local @!p0 [hbm:s0], s1  }
0x4a: {  	s0 =	simm.s32 @!p0 $0x1  }
0x4b: {  	_ =	swait.ge @!p0 [sflag:s0], s1  }
0x4c: {  	s1 =	ssub.s32 @!p0 $0x0, s1;
	[sflag:s0] =	ssyncset.done @!p0 $0x0  }
0x4d: {  	[sflag:s0] =	ssyncadd.s32 @!p0 s1  }
0x4e: {  	[bflag:$0x3] =	sbarrier.arrive $0xFFFF  }
0x4f: {  	_ =	shalt  }

// kernel: gather_offload_async_start.2
scs
__scs_entry_jumppad:
0x0: {  	(pc) =	sbr.rel $0x88, $3  }
0x1: {  	(tag) =	ssettag $0x0;
	lr =	simm.s32 $0x1  }
0x2: {  	[smem:$0x3F9C] =	sst lr;
	_ =	strace $0xD0000000  }
0x3: {  	_ = 	snop  }
0x4: {  	_ = 	snop  }
0x5: {  	_ = 	snop  }
0x6: {  	_ = 	snop  }
0x7: {  	_ = 	snop  }
__scs_overlays_trampoline_lowered:
0x8: {  	[smem:$0x3FAB] =	sst s0  }
0x9: {  	[smem:$0x3FAC] =	sst s1  }
0xa: {  	[smem:$0x3FAD] =	sst s2  }
0xb: {  	[smem:$0x3FAE] =	sst s3  }
0xc: {  	[smem:$0x3FAF] =	sst s4  }
0xd: {  	[smem:$0x3FB0] =	sst s5  }
0xe: {  	[smem:$0x3FB1] =	sst s6  }
0xf: {  	[smem:$0x3FB2] =	sst s7  }
0x10: {  	[smem:$0x3FB3] =	sst s8  }
0x11: {  	[smem:$0x3FB4] =	sst s9;
	s0 =	simm.s32 @!p0 $0x0  }
0x12: {  	s1 =	sld [smem:$0x3F9A];
	s0 =	simm.s32 @p0 $0x1  }
0x13: {  	[smem:$0x3FB5] =	sst s0;
	s0 =	simm.s32 @!p1 $0x0  }
0x14: {  	s2 =	sld [smem:$0x3F99];
	s0 =	simm.s32 @p1 $0x1  }
0x15: {  	[smem:$0x3FB6] =	sst s0;
	s0 =	simm.s32 @!p2 $0x0  }
0x16: {  	s3 =	sld [smem:$0x3FDB];
	s0 =	simm.s32 @p2 $0x1  }
0x17: {  	s4 =	simm.s32 $0x1BF5;
	[smem:$0x3FB8] =	sst s0  }
0x18: {  	s0 =	sld [smem:$0x3F9B];
	_ =	swait.ge [sflag:s4], $0x0  }
0x19: {  	s7 =	sld [smem:$0x3F9C]  }
0x1a: {  	s8 =	sadd.s32 $0xFFFFE003, lr  }
0x1b: {  	s9 =	sadd.s32 $0xFFFFFEF7, lr;
	s5 =	simm.s32 $0xFFFFFFFF;
	p2 =	slt.u32 s8, $0xFFFFF086  }
0x1c: {  	p1 =	slt.u32 s9, $0xF7A;
	s5 =	simm.s32 @!p2 $0x0  }
0x1d: {  	s5 =	simm.s32 @p1 $0x1;
	p0 =	seq.s32 s7, s2  }
0x1e: {  	s7 =	smul.u32 @!p0 $0xF7A, s2;
	p2 =	seq.s32 @!p0 s5, $0x0  }
0x1f: {  	s9 =	smul.u32 $0xF7A, s1;
	s8 =	simm.s32 @!p0 $0x1BF5;
	p2 =	por !p2, p0  }
0x20: {  	[sflag:s8] =	ssyncset.s32 @!p0 $0xFFFFF086;
	s6 =	sadd.s32 @!p0 s3, s7;
	s7 =	simm.s32 @!p0 $0x108  }
0x21: {  	s3 =	sadd.s32 s3, s9;
	s6 =	sadd.s32 @!p0 $0x88, s6;
	s7 =	simm.s32 @p2 $0x1082  }
0x22: {  	[simem:s7], [sflag:s8] =	dma.local @!p0 [hbm:s6], $0xF7A  }
0x23: {  	s9 =	sor.u32 $0xD0000000, s2;
	s6 =	simm.s32 $0x108;
	_ =	swait.ge @!p0 [sflag:s8], $0x0  }
0x24: {  	s3 =	sadd.s32 $0x88, s3;
	s6 =	simm.s32 @!p1 $0x1082;
	[sflag:s4] =	ssyncset.s32 $0xFFFFF086  }
0x25: {  	[simem:s6], [sflag:s4] =	dma.local [hbm:s3], $0xF7A  }
0x26: {  	[smem:$0x3F9C] =	sst s1;
	(tag) =	ssettag s2;
	_ =	strace s9  }
0x27: {  	s1 =	sld [smem:$0x3FAC]  }
0x28: {  	s2 =	sld [smem:$0x3FAD]  }
0x29: {  	s4 =	sld [smem:$0x3FAF]  }
0x2a: {  	p0 =	seq.s32 s5, $0x0;
	s5 =	sld [smem:$0x3FB0]  }
0x2b: {  	s6 =	sld [smem:$0x3FB1]  }
0x2c: {  	s7 =	sld [smem:$0x3FB2]  }
0x2d: {  	s3 =	simm.s32 $0x108;
	s8 =	sld [smem:$0x3FB3]  }
0x2e: {  	s3 =	simm.s32 @!p0 $0x1082;
	s9 =	sld [smem:$0x3FB4]  }
0x2f: {  	lr =	sadd.s32 s0, s3;
	s0 =	sld [smem:$0x3FAB]  }
0x30: {  	s3 =	sld [smem:$0x3FAE]  }
0x31: {  	[smem:$0x3FB7] =	sst s10  }
0x32: {  	s10 =	sld [smem:$0x3FB5];
	_ =	sdelay $0x3  }
0x33: {  	p0 =	seq.s32 s10, $0x1;
	s10 =	sld [smem:$0x3FB7];
	_ =	sdelay $0x3  }
0x34: {  	[smem:$0x3FB7] =	sst s10  }
0x35: {  	s10 =	sld [smem:$0x3FB6];
	_ =	sdelay $0x3  }
0x36: {  	p1 =	seq.s32 s10, $0x1;
	s10 =	sld [smem:$0x3FB7];
	_ =	sdelay $0x3  }
0x37: {  	[smem:$0x3FB7] =	sst s10  }
0x38: {  	s10 =	sld [smem:$0x3FB8]  }
0x39: {  	_ = 	snop;
	(pc) =	sbr.ind lr, $3  }
0x3a: {  	_ = 	snop  }
0x3b: {  	_ = 	snop  }
0x3c: {  	p2 =	seq.s32 s10, $0x1;
	s10 =	sld [smem:$0x3FB7]  }
0x3d: {  	_ =	shalt  }
0x3e: {  	_ =	shalt  }
0x3f: {  	_ =	shalt  }
0x40: {  	_ =	shalt  }
0x41: {  	_ =	shalt  }
0x42: {  	_ =	shalt  }
0x43: {  	_ =	shalt  }
0x44: {  	_ =	shalt  }
0x45: {  	_ =	shalt  }
0x46: {  	_ =	shalt  }
0x47: {  	_ =	shalt  }
0x48: {  	_ =	shalt  }
0x49: {  	_ =	shalt  }
0x4a: {  	_ =	shalt  }
0x4b: {  	_ =	shalt  }
0x4c: {  	_ =	shalt  }
0x4d: {  	_ =	shalt  }
0x4e: {  	_ =	shalt  }
0x4f: {  	_ =	shalt  }
0x50: {  	_ =	shalt  }
0x51: {  	_ =	shalt  }
0x52: {  	_ =	shalt  }
0x53: {  	_ =	shalt  }
0x54: {  	_ =	shalt  }
0x55: {  	_ =	shalt  }
0x56: {  	_ =	shalt  }
0x57: {  	_ =	shalt  }
0x58: {  	_ =	shalt  }
0x59: {  	_ =	shalt  }
0x5a: {  	_ =	shalt  }
0x5b: {  	_ =	shalt  }
0x5c: {  	_ =	shalt  }
0x5d: {  	_ =	shalt  }
0x5e: {  	_ =	shalt  }
0x5f: {  	_ =	shalt  }
0x60: {  	_ =	shalt  }
0x61: {  	_ =	shalt  }
0x62: {  	_ =	shalt  }
0x63: {  	_ =	shalt  }
0x64: {  	_ =	shalt  }
0x65: {  	_ =	shalt  }
0x66: {  	_ =	shalt  }
0x67: {  	_ =	shalt  }
0x68: {  	_ =	shalt  }
0x69: {  	_ =	shalt  }
0x6a: {  	_ =	shalt  }
0x6b: {  	_ =	shalt  }
0x6c: {  	_ =	shalt  }
0x6d: {  	_ =	shalt  }
0x6e: {  	_ =	shalt  }
0x6f: {  	_ =	shalt  }
0x70: {  	_ =	shalt  }
0x71: {  	_ =	shalt  }
0x72: {  	_ =	shalt  }
0x73: {  	_ =	shalt  }
0x74: {  	_ =	shalt  }
0x75: {  	_ =	shalt  }
0x76: {  	_ =	shalt  }
0x77: {  	_ =	shalt  }
0x78: {  	_ =	shalt  }
0x79: {  	_ =	shalt  }
0x7a: {  	_ =	shalt  }
0x7b: {  	_ =	shalt  }
0x7c: {  	_ =	shalt  }
0x7d: {  	_ =	shalt  }
0x7e: {  	_ =	shalt  }
0x7f: {  	_ =	shalt  }
0x80: {  	_ =	shalt  }
0x81: {  	_ =	shalt  }
0x82: {  	_ =	shalt  }
0x83: {  	_ =	shalt  }
0x84: {  	_ =	shalt  }
0x85: {  	_ =	shalt  }
0x86: {  	_ =	shalt  }
0x87: {  	_ =	shalt  }
.Lfunc_end0:
.L_simem_size_0:
called_computation.3_lowered:
.L_overlay_start_0:
0x88: {  	s2 =	sld [smem:$0x3FD9]  }
0x89: {  	s3 =	sld [smem:$0x3FFE];
	_ =	sdelay $0x1  }
0x8a: {  	s1 =	srdreg.scid  }
0x8b: {  	s0 =	sand.u32 $0x1, s1  }
0x8c: {  	s16 =	sshll.u32 s0, $0xA;
	s2 =	sadd.s32 s3, s2  }
0x8d: {  	s2 =	sadd.s32 s2, s16  }
0x8e: {  	[smem:$0x3FC3] =	sst s2  }
0x8f: {  	_ = 	snop  }
0x90: {  	(tm) =	ssettm $0x1  }
0x91: {  	s17 =	sld [smem:$0x3FFB];
	_ =	sdelay $0x3  }
0x92: {  	_ =	strace s17  }
0x93: {  	s2 =	sld [smem:$0x3FFC];
	_ =	sdelay $0x3  }
0x94: {  	_ =	strace s2  }
0x95: {  	s2 =	sld [smem:$0x3FFD];
	_ =	sdelay $0x3  }
0x96: {  	_ =	strace s2  }
0x97: {  	_ =	strace $0x8FFFFFFF  }
0x98: {  	s18 =	sld [smem:$0x3FDB];
	_ =	sdelay $0x1  }
0x99: {  	s19 =	simm.s32 $_scs_section_size  }
0x9a: {  	s4 =	simm.s32 $_size__tile_overlayer_lowered;
	s5 =	simm.s32 $_tile_overlayer_lowered  }
0x9b: {  	s22 =	simm.s32 $0x1BFF;
	s21 =	sshll.u32 s5, $0x1;
	s2 =	sadd.s32 s19, s18  }
0x9c: {  	s6 =	simm.s32 $0x0;
	s20 =	sshll.u32 s4, $0x1;
	s4 =	sadd.s32 s21, s2  }
0x9d: {  	[timem:s6], [sflag:s22] =	dma.local [hbm:s4], s20  }
0x9e: {  	_ =	swait.ge [sflag:s22], s20  }
0x9f: {  	s3 =	ssub.s32 $0x0, s20;
	[sflag:s22] =	ssyncset.done $0x0  }
0xa0: {  	[sflag:s22] =	ssyncadd.s32 s3;
	_ =	sdelay $0x1  }
0xa1: {  	s23 =	simm.s32 $0x1B8B  }
0xa2: {  	_ =	swait.ge [sflag:s23], $0x1  }
0xa3: {  	[sflag:s23] =	ssyncset.done $0x0  }
0xa4: {  	s25 =	simm.s32 $0x1B8E;
	s24 =	sld [smem:$0x3FFE];
	[sflag:s23] =	ssyncadd.s32 $0xFFFFFFFF  }
0xa5: {  	s26 =	simm.s32 $execute0_lowered;
	[smem:$0x3FD2] =	sst s25  }
0xa6: {  	s4 =	sshll.u32 s26, $0x1;
	_ =	strace $0x8000004C;
	[dreg:$0x1] =	wrdreg $0xFFFFFFFF  }
0xa7: {  	s28 =	simm.s32 $_size_execute0_lowered;
	s2 =	sadd.s32 s2, s4;
	[dreg:$0x0] =	wrdreg $0x0  }
0xa8: {  	s4 =	sshll.u32 s28, $0x1;
	[dreg:$0x2] =	wrdreg s2  }
0xa9: {  	[dreg:$0x3] =	wrdreg s4  }
0xaa: {  	[dreg:$0x4] =	wrdreg $0xC0  }
0xab: {  	_ =	task [dreg:s6], $0x5FFFF  }
0xac: {  	[dreg:$0x1] =	wrdreg $0xFFFFFFFF  }
0xad: {  	[dreg:$0x0] =	wrdreg $0x60  }
0xae: {  	[dreg:$0x2] =	wrdreg s24  }
0xaf: {  	[dreg:$0x3] =	wrdreg $0xA  }
0xb0: {  	_ =	task.clear_ibuf [dreg:s6], $0x4FFFF;
	_ =	strace $0x9000004C  }
0xb1: {  	s29 =	simm.s32 $0xA;
	_ =	strace $0x8000004E  }
0xb2: {  	_ =	swait.ge [sflag:s29], $0x1  }
0xb3: {  	[sflag:s29] =	ssyncadd.s32 $0xFFFFFFFF  }
0xb4: {  	_ =	strace $0x9000004E  }
0xb5: {  	_ =	sfence  }
0xb6: {  	s30 =	sld [smem:$0x0];
	_ =	sdelay $0x2  }
0xb7: {  	s31 =	sshll.u32 s1, $0xD;
	s1 =	sshrl.u32 s1, $0x2  }
0xb8: {  	s3 =	sand.u32 $0x4000, s31;
	s1 =	sadd.s32 s1, s30  }
0xb9: {  	s0 =	sor.u32 s3, s0;
	s1 =	sshll.u32 s1, $0x11  }
0xba: {  	s0 =	sor.u32 s1, s0  }
0xbb: {  	s0 =	sadd.s32 $0x8F2B, s0  }
0xbc: {  	[sflag:s0] =	ssyncadd.remote.s32 $0x1  }
0xbd: {  	_ =	sfence.sel $0xFFFF  }
0xbe: {  	[dreg:$0x0] =	wrdreg $0xFFFFFFFF;
	(pc) =	sbr.abs _section_cstart, $3  }
0xbf: {  	[dreg:$0x1] =	wrdreg $0xFFFFFFFF  }
0xc0: {  	_ =	task.clear_ibuf [dreg:s6], $0x2FFFF;
	_ =	strace $0x9FFFFFFF  }
0xc1: {  	(tm) =	ssettm $0x7FFFFFFF  }
tec
execute0_lowered:
.L_overlay_start_1:
0x0: {  	(tag) =	ssettag $0x1  }
0x1: {  	s7 =	rddreg [dreg:$0x0]  }
0x2: {  	s0 =	rddreg [dreg:$0x1];
	_ =	strace $0x8000004D  }
0x3: {  	s1 =	srdreg.scid;
	s4 =	simm.s32 $0x1;
	s9 =	simm.s32 $0x3  }
0x4: {  	s11 =	simm.s32 $0x0;
	p0 =	por $0x0, $0x0;
	s5 =	sshll.u32 s1, $0x4  }
.Ltmp0:
0x5: {  	s1 =	stileid.u32;
	s5 =	sand.u32 $0x10, s5;
	(pc) =	sbr.rel .LBB2_1-.Ltmp0, $4  }
0x6: {  	s2 =	sadd.s32 $0x2E1C00, s7;
	s3 =	sadd.s32 $0x1800, s7;
	s6 =	sor.u32 s1, s5  }
0x7: {  	[sflag:s4] =	ssyncpa.u1 $0x0;
	s5 =	simm.s32 $0x2;
	s6 =	sshll.u32 s6, $0x7  }
0x8: {  	s7 =	sadd.s32 $0x1C00, s7;
	[sflag:s5] =	ssyncpa.u1 $0x0;
	s8 =	sadd.s32 $0x80, s6  }
0x9: {  	vm0 =	vmmov $0xff;
	vm1 =	vcmask $0x3F20;
	[sflag:s9] =	ssyncpa.u1 $0x0;
	s10 =	smov.u32 s6;
	s9 =	simm.s32 $0x0  }
.LBB2_5:
0xa: {  	p1 =	slt.u32 s9, $0x2;
	s11 =	sadd.s32 $0x10, s10  }
0xb: {  	s13 =	smov.u32 s6;
	s9 =	sadd.s32 $0x1, s9;
	p2 =	slt.s32 s11, s8  }
0xc: {  	s13 =	smov.u32 @p2 s11;
	p2 =	sne.s32 s9, $0xA  }
.Ltmp1:
0xd: {  	_ = 	snop;
	(pc) =	sbr.rel @!p2 .LBB2_6-.Ltmp1, $4  }
0xe: {  	s12 =	simm.s32 @!p1 $0x3  }
0xf: {  	_ =	swait.ge @!p1 [sflag:s12], $0x8000  }
0x10: {  	p0 =	por !p0, !p0;
	[sflag:s12] =	ssyncset.done @!p1 $0x0  }
0x11: {  	s11 =	smov.u32 s10;
	s10 =	smov.u32 s13;
	[sflag:s12] =	ssyncadd.s32 @!p1 $0xFFFF8000  }
.LBB2_1:
0x12: {  	p1 =	sgt.u32 s9, $0x7  }
0x13: {  	s12 =	sxor.u32 @!p1 $0xFFFFFFFF, s9  }
0x14: {  	s13 =	sshrl.u32 @!p1 s10, $0x3;
	s12 =	sshll.u32 @!p1 s12, $0x4  }
0x15: {  	s14 =	sand.u32 @!p1 $0x7, s10;
	s13 =	sadd.s32 @!p1 s3, s13;
	s12 =	sand.u32 @!p1 $0x10, s12  }
0x16: {  	[tilespmem:s12], [sflag:$0x2] =	stream.linear.gather @!p1 [hbm4b:s13+s14], $0x10, $0x38;
	[tilespmem:$0x10020] =	vst v63  }
0x17: {  	p1 =	seq.s32 s9, $0x0  }
0x18: {  	p2 =	seq.s32 @!p1 s9, $0x9  }
0x19: {  	p1 =	por p1, p2  }
.Ltmp2:
0x1a: {  	_ = 	snop;
	(pc) =	sbr.rel @p1 .LBB2_5-.Ltmp2, $1  }
0x1b: {  	_ =	sdelay $0x3  }
0x1c: {  	_ =	swait.ge [sflag:s5], $0x10  }
0x1d: {  	s12 =	sand.u32 $0x1, s9;
	[sflag:s5] =	ssyncset.done $0x0  }
0x1e: {  	s13 =	sshll.u32 s12, $0x4;
	[sflag:s5] =	ssyncadd.s32 $0xFFFFFFF0  }
0x1f: {  	v0 =	vld.msk [tilespmem:s13+$0x0 ss:$0x1], $0xffff;
	_ =	sdelay $0x4  }
0x20: {  	vm2 =	vgt.s32 v0, $0x0  }
0x21: {  	v0 =	vnsel vm2, $0x0, v0  }
0x22: {  	v0 =	vmin.u32 v0, $0x1FFF  }
0x23: {  	v1 =	vshll.u32 v0, $0x8;
	v0 =	vshll.u32 v0, $0x4  }
0x24: {  	v1 =	vand.u32 $0x1FF800, v1;
	v0 =	vand.u32 $0x70, v0  }
0x25: {  	s13 =	simm.s32 $0x1;
	v0 =	vor.u32 v0, v1  }
0x26: {  	s13 =	simm.s32 @!p0 $0x0  }
0x27: {  	s13 =	sshll.u32 s13, $0xF  }
0x28: {  	s14 =	sor.u32 $0x20, s13  }
0x29: {  	s12 =	sshll.u32 s12, $0xF;
	s16 =	sadd.s32 $0x0, s14  }
0x2a: {  	[tilespmem:s16], [sflag:$0x1] =	stream.indirect_vreg.gather [hbm:s2], $0x80, v0, vm0, $0x38;
	[tilespmem:$0x10020] =	vst v63  }
0x2b: {  	s15 =	simm.s32 $0x1000;
	s13 =	sor.u32 $0x20, s12;
	v1 =	vadd.s32 $0x80, v0;
	s16 =	sadd.s32 $0x4000, s16  }
.LBB2_3:
0x2c: {  	[tilespmem:s16], [sflag:$0x1] =	stream.indirect_vreg.gather [hbm:s2], $0x80, v0, vm1, $0x38;
	[tilespmem:$0x10020] =	vst v63  }
0x2d: {  	v0 =	vmov v1;
	s16 =	smov.u32 s15;
	p1 =	sne.s32 s15, $0xF000  }
.Ltmp3:
0x2e: {  	s15 =	sadd.s32 $0x1000, s15;
	(pc) =	sbr.rel @p1 .LBB2_3-.Ltmp3, $4  }
0x2f: {  	s16 =	sshra.s32 s16, $0x2  }
0x30: {  	s16 =	sadd.s32 s16, s14  }
0x31: {  	[tilespmem:s16], [sflag:$0x1] =	stream.indirect_vreg.gather [hbm:s2], $0x80, v1, vm0, $0x38;
	[tilespmem:$0x10020] =	vst v63  }
0x32: {  	s16 =	sadd.s32 $0x4000, s16;
	v1 =	vadd.s32 $0x80, v1  }
0x33: {  	_ =	sdelay $0x3  }
0x34: {  	[tilespmem:s16], [sflag:$0x1] =	stream.indirect_vreg.gather [hbm:s2], $0x80, v0, vm1, $0x38;
	[tilespmem:$0x10020] =	vst v63  }
0x35: {  	s14 =	sshll.u32 s11, $0x4;
	s31 =	sshll.u32 s11, $0x8  }
0x36: {  	_ =	swait.ge [sflag:s4], $0x8000;
	s14 =	sand.u32 $0x70, s14;
	s11 =	sand.u32 $0xFFFFF800, s31  }
.Ltmp4:
0x37: {  	[sflag:s4] =	ssyncset.done $0x0;
	s14 =	sadd.s32 s7, s14;
	(pc) =	sbr.rel .LBB2_5-.Ltmp4, $4  }
0x38: {  	[sflag:s4] =	ssyncadd.s32 $0xFFFF8000;
	s11 =	sadd.s32 s11, s14  }
0x39: {  	[hbm:s11] =	stream.linear.scatter [tilespmem:s13], [sflag:$0x3], $0x4000, $0x38;
	[tilespmem:$0x10020] =	vst v63  }
0x3a: {  	s12 =	sadd.s32 $0x4020, s12;
	s11 =	sadd.s32 $0x800, s11  }
0x3b: {  	[hbm:s11] =	stream.linear.scatter [tilespmem:s12], [sflag:$0x3], $0x4000, $0x38;
	[tilespmem:$0x10020] =	vst v63  }
.LBB2_6:
0x3c: {  	_ =	sfence.sel $0x180000  }
0x3d: {  	s2 =	simm.s32 $0x2;
	[bflag:$0x0] =	sbarrier.arrive $0xFFFF  }
0x3e: {  	s30 =	simm.s32 $0x3;
	[sflag:s2] =	ssyncpa.u1 $0x1  }
0x3f: {  	s31 =	simm.s32 $0x1;
	[sflag:s30] =	ssyncpa.u1 $0x1  }
0x40: {  	[sflag:s31] =	ssyncpa.u1 $0x1  }
0x41: {  	p0 =	sne.s32 s1, $0x0;
	_ =	strace $0x9000004D  }
0x42: {  	s0 =	sadd.s32 @!p0 $0x100000, s0;
	[bflag:$0x2] =	sbarrier.arrive $0xFFFF  }
0x43: {  	[sflag:s0] =	ssyncadd.tile.s32 @!p0 $0x1;
	_ =	shalt  }
.Lfunc_end2:
_tile_overlayer_lowered:
.L_overlay_start_2:
0x44: {  	(tag) =	ssettag $0x2  }
0x45: {  	s0 =	rddreg [dreg:$0x0];
	s2 =	stileid.u32  }
0x46: {  	s1 =	rddreg [dreg:$0x1];
	p0 =	sne.s32 s2, $0x0  }
0x47: {  	s3 =	rddreg [dreg:$0x2];
	[bflag:$0x3] =	sbarrier.arrive $0xFFFF;
	s2 =	simm.s32 @!p0 $0x1C01  }
0x48: {  	[timem:s3], [sflag:s2] =	dma.local @!p0 [hbm:s0], s1  }
0x49: {  	s0 =	simm.s32 @!p0 $0x1  }
0x4a: {  	_ =	swait.ge @!p0 [sflag:s0], s1  }
0x4b: {  	s1 =	ssub.s32 @!p0 $0x0, s1;
	[sflag:s0] =	ssyncset.done @!p0 $0x0  }
0x4c: {  	[sflag:s0] =	ssyncadd.s32 @!p0 s1  }
0x4d: {  	[bflag:$0x3] =	sbarrier.arrive $0xFFFF  }
0x4e: {  	_ =	shalt  }

// kernel: gather_offload_async_start
scs
__scs_entry_jumppad:
0x0: {  	(pc) =	sbr.rel $0x88, $3  }
0x1: {  	(tag) =	ssettag $0x0;
	lr =	simm.s32 $0x1  }
0x2: {  	[smem:$0x3F9C] =	sst lr;
	_ =	strace $0xD0000000  }
0x3: {  	_ = 	snop  }
0x4: {  	_ = 	snop  }
0x5: {  	_ = 	snop  }
0x6: {  	_ = 	snop  }
0x7: {  	_ = 	snop  }
__scs_overlays_trampoline_lowered:
0x8: {  	[smem:$0x3FAB] =	sst s0  }
0x9: {  	[smem:$0x3FAC] =	sst s1  }
0xa: {  	[smem:$0x3FAD] =	sst s2  }
0xb: {  	[smem:$0x3FAE] =	sst s3  }
0xc: {  	[smem:$0x3FAF] =	sst s4  }
0xd: {  	[smem:$0x3FB0] =	sst s5  }
0xe: {  	[smem:$0x3FB1] =	sst s6  }
0xf: {  	[smem:$0x3FB2] =	sst s7  }
0x10: {  	[smem:$0x3FB3] =	sst s8  }
0x11: {  	[smem:$0x3FB4] =	sst s9;
	s0 =	simm.s32 @!p0 $0x0  }
0x12: {  	s1 =	sld [smem:$0x3F9A];
	s0 =	simm.s32 @p0 $0x1  }
0x13: {  	[smem:$0x3FB5] =	sst s0;
	s0 =	simm.s32 @!p1 $0x0  }
0x14: {  	s2 =	sld [smem:$0x3F99];
	s0 =	simm.s32 @p1 $0x1  }
0x15: {  	[smem:$0x3FB6] =	sst s0;
	s0 =	simm.s32 @!p2 $0x0  }
0x16: {  	s3 =	sld [smem:$0x3FDB];
	s0 =	simm.s32 @p2 $0x1  }
0x17: {  	s4 =	simm.s32 $0x1BF5;
	[smem:$0x3FB8] =	sst s0  }
0x18: {  	s0 =	sld [smem:$0x3F9B];
	_ =	swait.ge [sflag:s4], $0x0  }
0x19: {  	s7 =	sld [smem:$0x3F9C]  }
0x1a: {  	s8 =	sadd.s32 $0xFFFFE003, lr  }
0x1b: {  	s9 =	sadd.s32 $0xFFFFFEF7, lr;
	s5 =	simm.s32 $0xFFFFFFFF;
	p2 =	slt.u32 s8, $0xFFFFF086  }
0x1c: {  	p1 =	slt.u32 s9, $0xF7A;
	s5 =	simm.s32 @!p2 $0x0  }
0x1d: {  	s5 =	simm.s32 @p1 $0x1;
	p0 =	seq.s32 s7, s2  }
0x1e: {  	s7 =	smul.u32 @!p0 $0xF7A, s2;
	p2 =	seq.s32 @!p0 s5, $0x0  }
0x1f: {  	s9 =	smul.u32 $0xF7A, s1;
	s8 =	simm.s32 @!p0 $0x1BF5;
	p2 =	por !p2, p0  }
0x20: {  	[sflag:s8] =	ssyncset.s32 @!p0 $0xFFFFF086;
	s6 =	sadd.s32 @!p0 s3, s7;
	s7 =	simm.s32 @!p0 $0x108  }
0x21: {  	s3 =	sadd.s32 s3, s9;
	s6 =	sadd.s32 @!p0 $0x88, s6;
	s7 =	simm.s32 @p2 $0x1082  }
0x22: {  	[simem:s7], [sflag:s8] =	dma.local @!p0 [hbm:s6], $0xF7A  }
0x23: {  	s9 =	sor.u32 $0xD0000000, s2;
	s6 =	simm.s32 $0x108;
	_ =	swait.ge @!p0 [sflag:s8], $0x0  }
0x24: {  	s3 =	sadd.s32 $0x88, s3;
	s6 =	simm.s32 @!p1 $0x1082;
	[sflag:s4] =	ssyncset.s32 $0xFFFFF086  }
0x25: {  	[simem:s6], [sflag:s4] =	dma.local [hbm:s3], $0xF7A  }
0x26: {  	[smem:$0x3F9C] =	sst s1;
	(tag) =	ssettag s2;
	_ =	strace s9  }
0x27: {  	s1 =	sld [smem:$0x3FAC]  }
0x28: {  	s2 =	sld [smem:$0x3FAD]  }
0x29: {  	s4 =	sld [smem:$0x3FAF]  }
0x2a: {  	p0 =	seq.s32 s5, $0x0;
	s5 =	sld [smem:$0x3FB0]  }
0x2b: {  	s6 =	sld [smem:$0x3FB1]  }
0x2c: {  	s7 =	sld [smem:$0x3FB2]  }
0x2d: {  	s3 =	simm.s32 $0x108;
	s8 =	sld [smem:$0x3FB3]  }
0x2e: {  	s3 =	simm.s32 @!p0 $0x1082;
	s9 =	sld [smem:$0x3FB4]  }
0x2f: {  	lr =	sadd.s32 s0, s3;
	s0 =	sld [smem:$0x3FAB]  }
0x30: {  	s3 =	sld [smem:$0x3FAE]  }
0x31: {  	[smem:$0x3FB7] =	sst s10  }
0x32: {  	s10 =	sld [smem:$0x3FB5];
	_ =	sdelay $0x3  }
0x33: {  	p0 =	seq.s32 s10, $0x1;
	s10 =	sld [smem:$0x3FB7];
	_ =	sdelay $0x3  }
0x34: {  	[smem:$0x3FB7] =	sst s10  }
0x35: {  	s10 =	sld [smem:$0x3FB6];
	_ =	sdelay $0x3  }
0x36: {  	p1 =	seq.s32 s10, $0x1;
	s10 =	sld [smem:$0x3FB7];
	_ =	sdelay $0x3  }
0x37: {  	[smem:$0x3FB7] =	sst s10  }
0x38: {  	s10 =	sld [smem:$0x3FB8]  }
0x39: {  	_ = 	snop;
	(pc) =	sbr.ind lr, $3  }
0x3a: {  	_ = 	snop  }
0x3b: {  	_ = 	snop  }
0x3c: {  	p2 =	seq.s32 s10, $0x1;
	s10 =	sld [smem:$0x3FB7]  }
0x3d: {  	_ =	shalt  }
0x3e: {  	_ =	shalt  }
0x3f: {  	_ =	shalt  }
0x40: {  	_ =	shalt  }
0x41: {  	_ =	shalt  }
0x42: {  	_ =	shalt  }
0x43: {  	_ =	shalt  }
0x44: {  	_ =	shalt  }
0x45: {  	_ =	shalt  }
0x46: {  	_ =	shalt  }
0x47: {  	_ =	shalt  }
0x48: {  	_ =	shalt  }
0x49: {  	_ =	shalt  }
0x4a: {  	_ =	shalt  }
0x4b: {  	_ =	shalt  }
0x4c: {  	_ =	shalt  }
0x4d: {  	_ =	shalt  }
0x4e: {  	_ =	shalt  }
0x4f: {  	_ =	shalt  }
0x50: {  	_ =	shalt  }
0x51: {  	_ =	shalt  }
0x52: {  	_ =	shalt  }
0x53: {  	_ =	shalt  }
0x54: {  	_ =	shalt  }
0x55: {  	_ =	shalt  }
0x56: {  	_ =	shalt  }
0x57: {  	_ =	shalt  }
0x58: {  	_ =	shalt  }
0x59: {  	_ =	shalt  }
0x5a: {  	_ =	shalt  }
0x5b: {  	_ =	shalt  }
0x5c: {  	_ =	shalt  }
0x5d: {  	_ =	shalt  }
0x5e: {  	_ =	shalt  }
0x5f: {  	_ =	shalt  }
0x60: {  	_ =	shalt  }
0x61: {  	_ =	shalt  }
0x62: {  	_ =	shalt  }
0x63: {  	_ =	shalt  }
0x64: {  	_ =	shalt  }
0x65: {  	_ =	shalt  }
0x66: {  	_ =	shalt  }
0x67: {  	_ =	shalt  }
0x68: {  	_ =	shalt  }
0x69: {  	_ =	shalt  }
0x6a: {  	_ =	shalt  }
0x6b: {  	_ =	shalt  }
0x6c: {  	_ =	shalt  }
0x6d: {  	_ =	shalt  }
0x6e: {  	_ =	shalt  }
0x6f: {  	_ =	shalt  }
0x70: {  	_ =	shalt  }
0x71: {  	_ =	shalt  }
0x72: {  	_ =	shalt  }
0x73: {  	_ =	shalt  }
0x74: {  	_ =	shalt  }
0x75: {  	_ =	shalt  }
0x76: {  	_ =	shalt  }
0x77: {  	_ =	shalt  }
0x78: {  	_ =	shalt  }
0x79: {  	_ =	shalt  }
0x7a: {  	_ =	shalt  }
0x7b: {  	_ =	shalt  }
0x7c: {  	_ =	shalt  }
0x7d: {  	_ =	shalt  }
0x7e: {  	_ =	shalt  }
0x7f: {  	_ =	shalt  }
0x80: {  	_ =	shalt  }
0x81: {  	_ =	shalt  }
0x82: {  	_ =	shalt  }
0x83: {  	_ =	shalt  }
0x84: {  	_ =	shalt  }
0x85: {  	_ =	shalt  }
0x86: {  	_ =	shalt  }
0x87: {  	_ =	shalt  }
.Lfunc_end0:
.L_simem_size_0:
called_computation.1_lowered:
.L_overlay_start_0:
0x88: {  	s2 =	sld [smem:$0x3FD9]  }
0x89: {  	s3 =	sld [smem:$0x3FFE];
	_ =	sdelay $0x1  }
0x8a: {  	s1 =	srdreg.scid  }
0x8b: {  	s0 =	sand.u32 $0x1, s1  }
0x8c: {  	s16 =	sshll.u32 s0, $0xA;
	s2 =	sadd.s32 s3, s2  }
0x8d: {  	s2 =	sadd.s32 s2, s16  }
0x8e: {  	[smem:$0x3FC3] =	sst s2  }
0x8f: {  	_ = 	snop  }
0x90: {  	(tm) =	ssettm $0x1  }
0x91: {  	s17 =	sld [smem:$0x3FFB];
	_ =	sdelay $0x3  }
0x92: {  	_ =	strace s17  }
0x93: {  	s2 =	sld [smem:$0x3FFC];
	_ =	sdelay $0x3  }
0x94: {  	_ =	strace s2  }
0x95: {  	s2 =	sld [smem:$0x3FFD];
	_ =	sdelay $0x3  }
0x96: {  	_ =	strace s2  }
0x97: {  	_ =	strace $0x8FFFFFFF  }
0x98: {  	s18 =	sld [smem:$0x3FDB];
	_ =	sdelay $0x1  }
0x99: {  	s19 =	simm.s32 $_scs_section_size  }
0x9a: {  	s4 =	simm.s32 $_size__tile_overlayer_lowered;
	s5 =	simm.s32 $_tile_overlayer_lowered  }
0x9b: {  	s22 =	simm.s32 $0x1BFF;
	s21 =	sshll.u32 s5, $0x1;
	s2 =	sadd.s32 s19, s18  }
0x9c: {  	s6 =	simm.s32 $0x0;
	s20 =	sshll.u32 s4, $0x1;
	s4 =	sadd.s32 s21, s2  }
0x9d: {  	[timem:s6], [sflag:s22] =	dma.local [hbm:s4], s20  }
0x9e: {  	_ =	swait.ge [sflag:s22], s20  }
0x9f: {  	s3 =	ssub.s32 $0x0, s20;
	[sflag:s22] =	ssyncset.done $0x0  }
0xa0: {  	[sflag:s22] =	ssyncadd.s32 s3;
	_ =	sdelay $0x1  }
0xa1: {  	s23 =	simm.s32 $0x1B8B  }
0xa2: {  	_ =	swait.ge [sflag:s23], $0x1  }
0xa3: {  	[sflag:s23] =	ssyncset.done $0x0  }
0xa4: {  	s25 =	simm.s32 $0x1B8E;
	s24 =	sld [smem:$0x3FFE];
	[sflag:s23] =	ssyncadd.s32 $0xFFFFFFFF  }
0xa5: {  	s26 =	simm.s32 $execute0_lowered;
	[smem:$0x3FD2] =	sst s25  }
0xa6: {  	s4 =	sshll.u32 s26, $0x1;
	_ =	strace $0x80000049;
	[dreg:$0x1] =	wrdreg $0xFFFFFFFF  }
0xa7: {  	s28 =	simm.s32 $_size_execute0_lowered;
	s2 =	sadd.s32 s2, s4;
	[dreg:$0x0] =	wrdreg $0x0  }
0xa8: {  	s4 =	sshll.u32 s28, $0x1;
	[dreg:$0x2] =	wrdreg s2  }
0xa9: {  	[dreg:$0x3] =	wrdreg s4  }
0xaa: {  	[dreg:$0x4] =	wrdreg $0xC0  }
0xab: {  	_ =	task [dreg:s6], $0x5FFFF  }
0xac: {  	[dreg:$0x1] =	wrdreg $0xFFFFFFFF  }
0xad: {  	[dreg:$0x0] =	wrdreg $0x60  }
0xae: {  	[dreg:$0x2] =	wrdreg s24  }
0xaf: {  	[dreg:$0x3] =	wrdreg $0x9  }
0xb0: {  	_ =	task.clear_ibuf [dreg:s6], $0x4FFFF;
	_ =	strace $0x90000049  }
0xb1: {  	s29 =	simm.s32 $0x9;
	_ =	strace $0x8000004B  }
0xb2: {  	_ =	swait.ge [sflag:s29], $0x1  }
0xb3: {  	[sflag:s29] =	ssyncadd.s32 $0xFFFFFFFF  }
0xb4: {  	_ =	strace $0x9000004B  }
0xb5: {  	_ =	sfence  }
0xb6: {  	s30 =	sld [smem:$0x0];
	_ =	sdelay $0x2  }
0xb7: {  	s31 =	sshll.u32 s1, $0xD;
	s1 =	sshrl.u32 s1, $0x2  }
0xb8: {  	s3 =	sand.u32 $0x4000, s31;
	s1 =	sadd.s32 s1, s30  }
0xb9: {  	s0 =	sor.u32 s3, s0;
	s1 =	sshll.u32 s1, $0x11  }
0xba: {  	s0 =	sor.u32 s1, s0  }
0xbb: {  	s0 =	sadd.s32 $0x8F2B, s0  }
0xbc: {  	[sflag:s0] =	ssyncadd.remote.s32 $0x1  }
0xbd: {  	_ =	sfence.sel $0xFFFF  }
0xbe: {  	[dreg:$0x0] =	wrdreg $0xFFFFFFFF;
	(pc) =	sbr.abs _section_cstart, $3  }
0xbf: {  	[dreg:$0x1] =	wrdreg $0xFFFFFFFF  }
0xc0: {  	_ =	task.clear_ibuf [dreg:s6], $0x2FFFF;
	_ =	strace $0x9FFFFFFF  }
0xc1: {  	(tm) =	ssettm $0x7FFFFFFF  }
tec
execute0_lowered:
.L_overlay_start_1:
0x0: {  	(tag) =	ssettag $0x1  }
0x1: {  	s0 =	srdreg.scid;
	s5 =	rddreg [dreg:$0x0]  }
0x2: {  	s1 =	stileid.u32;
	s6 =	simm.s32 $0x1;
	s9 =	simm.s32 $0x1  }
0x3: {  	s10 =	simm.s32 $0x3;
	s13 =	simm.s32 $0x0;
	s2 =	sshll.u32 s0, $0x7  }
0x4: {  	s12 =	simm.s32 $0x0;
	s3 =	sshll.u32 s1, $0x8;
	s2 =	sand.u32 $0x80, s2  }
0x5: {  	s0 =	rddreg [dreg:$0x1];
	_ =	strace $0x8000004A;
	s2 =	sor.u32 s3, s2  }
0x6: {  	s4 =	sadd.s32 $0xA00, s5;
	[sflag:s6] =	ssyncpa.u1 $0x0;
	s8 =	ssub.s32 $0x2000, s2  }
.Ltmp0:
0x7: {  	s3 =	sadd.s32 $0x600, s5;
	s7 =	sand.u32 $0xF80, s8;
	(pc) =	sbr.rel .LBB2_1-.Ltmp0, $4  }
0x8: {  	s5 =	sadd.s32 $0x1200, s5;
	s11 =	smov.u32 s2;
	p0 =	sne.s32 s7, $0x0  }
0x9: {  	s8 =	sshrl.u32 s8, $0xC;
	s7 =	simm.s32 $0x2;
	s9 =	simm.s32 @!p0 $0x0  }
0xa: {  	[sflag:s7] =	ssyncpa.u1 $0x0;
	p0 =	por $0x0, $0x0;
	s8 =	sadd.s32 s9, s8  }
0xb: {  	vm0 =	vmmov $0xffff;
	[sflag:s10] =	ssyncpa.u1 $0x0;
	s10 =	simm.s32 $0x0;
	s9 =	sadd.s32 $0x1, s8  }
.LBB2_4:
0xc: {  	v2 =	vnsel vm1, $0x0, v2  }
0xd: {  	vm1 =	vgt.s32 v0, $0x0;
	v2 =	vmin.u32 v2, $0x1FFF  }
0xe: {  	v0 =	vnsel vm1, $0x0, v0  }
0xf: {  	v0 =	vmin.u32 v0, $0x1FFF  }
0x10: {  	[tilespmem:s15], [sflag:$0x1] =	stream.indirect_vreg.gather [hbm4b:s3+s10], $0x1, v1, vm0, $0x4038;
	[tilespmem:$0x200] =	vst v63  }
0x11: {  	(ifvalue) =	ssetifvalue $0x7FFFFFFF  }
0x12: {  	[tilespmem:s16], [sflag:$0x1] =	stream.indirect_vreg.gather [hbm4b:s3+s10], $0x1, v2, vm0, $0x4038;
	[tilespmem:$0x200] =	vst v63  }
0x13: {  	s29 =	sadd.s32 $0x10, s16;
	(ifvalue) =	ssetifvalue $0x7FFFFFFF  }
0x14: {  	[tilespmem:s29], [sflag:$0x1] =	stream.indirect_vreg.gather [hbm4b:s3+s10], $0x1, v0, vm0, $0x4038;
	[tilespmem:$0x200] =	vst v63  }
0x15: {  	_ =	swait.ge [sflag:s6], $0x80  }
0x16: {  	s30 =	sshrl.u32 s13, $0x3;
	[sflag:s6] =	ssyncset.done $0x0  }
0x17: {  	s31 =	sand.u32 $0x7, s13;
	s15 =	sadd.s32 s5, s30;
	[sflag:s6] =	ssyncadd.s32 $0xFFFFFF80  }
0x18: {  	[hbm4b:s15+s31] =	stream.linear.scatter [tilespmem:s14], [sflag:$0x3], $0x80, $0x38;
	[tilespmem:$0x200] =	vst v63  }
.LBB2_5:
0x19: {  	s15 =	sadd.s32 $0x1000, s11  }
0x1a: {  	p2 =	sgt.s32 s15, $0x1FFF  }
0x1b: {  	s15 =	smov.u32 @p2 s2;
	p2 =	sne.s32 s12, s9  }
.Ltmp1:
0x1c: {  	p1 =	slt.u32 s12, $0x2;
	(pc) =	sbr.rel @!p2 .LBB2_6-.Ltmp1, $4  }
0x1d: {  	s14 =	simm.s32 @!p1 $0x3  }
0x1e: {  	s16 =	sadd.s32 $0x1, s12;
	_ =	swait.ge @!p1 [sflag:s14], $0x80  }
0x1f: {  	s13 =	smov.u32 s11;
	p0 =	por !p0, !p0;
	[sflag:s14] =	ssyncset.done @!p1 $0x0  }
0x20: {  	s12 =	smov.u32 s16;
	s11 =	smov.u32 s15;
	[sflag:s14] =	ssyncadd.s32 @!p1 $0xFFFFFF80  }
.LBB2_1:
0x21: {  	p1 =	sge.u32 s12, s8  }
0x22: {  	s14 =	sxor.u32 @!p1 $0xFFFFFFFF, s12  }
0x23: {  	s31 =	sadd.s32 $0xFFFFFFFF, s12;
	s15 =	sshrl.u32 @!p1 s11, $0x3;
	s14 =	sshll.u32 @!p1 s14, $0x7  }
0x24: {  	s16 =	sand.u32 @!p1 $0x7, s11;
	s15 =	sadd.s32 @!p1 s4, s15;
	s14 =	sand.u32 @!p1 $0x80, s14  }
0x25: {  	[tilespmem:s14], [sflag:$0x2] =	stream.linear.gather @!p1 [hbm4b:s15+s16], $0x80, $0x38;
	[tilespmem:$0x200] =	vst v63  }
0x26: {  	p1 =	sge.u32 s31, s8  }
.Ltmp2:
0x27: {  	_ = 	snop;
	(pc) =	sbr.rel @p1 .LBB2_5-.Ltmp2, $1  }
0x28: {  	_ =	sdelay $0x3  }
0x29: {  	s14 =	simm.s32 $0x1  }
0x2a: {  	_ =	swait.ge [sflag:s7], $0x80;
	s14 =	simm.s32 @!p0 $0x0  }
0x2b: {  	[sflag:s7] =	ssyncset.done $0x0;
	s14 =	sshll.u32 s14, $0x7  }
0x2c: {  	[sflag:s7] =	ssyncadd.s32 $0xFFFFFF80;
	(ifvalue) =	ssetifvalue $0x7FFFFFFF;
	v0 =	vld.msk [tilespmem:s14+$0x0 ss:$0x1], $0xffff;
	_ =	sdelay $0x4  }
0x2d: {  	s15 =	sadd.s32 $0x10, s14;
	vm1 =	vgt.s32 v0, $0x0  }
0x2e: {  	v2 =	vld.msk [tilespmem:s15+$0x0 ss:$0x1], $0xffff;
	v1 =	vnsel vm1, $0x0, v0  }
0x2f: {  	v1 =	vmin.u32 v1, $0x1FFF;
	_ =	sdelay $0x1  }
0x30: {  	s16 =	sshll.u32 s12, $0x7;
	s18 =	simm.s32 $0x20  }
0x31: {  	s16 =	sand.u32 $0x80, s16;
	s17 =	sadd.s32 $0x10, s15;
	s15 =	sor.u32 $0x100, s14  }
0x32: {  	s14 =	sor.u32 $0x100, s16;
	s16 =	sadd.s32 $0x10, s15;
	v0 =	vld.msk [tilespmem:s17+$0x0 ss:$0x1], $0xffff;
	vm1 =	vgt.s32 v2, $0x0;
	(ifvalue) =	ssetifvalue $0x7FFFFFFF  }
.LBB2_3:
0x33: {  	[tilespmem:s15], [sflag:$0x1] =	stream.indirect_vreg.gather [hbm4b:s3+s10], $0x1, v1, vm0, $0x4038;
	[tilespmem:$0x200] =	vst v63  }
0x34: {  	s18 =	sadd.s32 $0x10, s18  }
0x35: {  	v2 =	vnsel vm1, $0x0, v2;
	p1 =	slt.u32 s18, $0x70  }
.Ltmp3:
0x36: {  	s15 =	smov.u32 s16;
	v1 =	vmin.u32 v2, $0x1FFF;
	(pc) =	sbr.rel @p1 .LBB2_3-.Ltmp3, $3  }
0x37: {  	_ =	sdelay $0x1  }
0x38: {  	s17 =	sadd.s32 $0x10, s17  }
0x39: {  	vm1 =	vgt.s32 v0, $0x0;
	s16 =	sadd.s32 $0x10, s16;
	v2 =	vmov v0;
	(ifvalue) =	ssetifvalue $0x7FFFFFFF;
	v0 =	vld.msk [tilespmem:s17+$0x0 ss:$0x1], $0xffff  }
.Ltmp4:
0x3a: {  	_ = 	snop;
	(pc) =	sbr.rel .LBB2_4-.Ltmp4, $1  }
0x3b: {  	_ =	sdelay $0x3  }
.LBB2_6:
0x3c: {  	_ =	sfence.sel $0x180000  }
0x3d: {  	s2 =	simm.s32 $0x2;
	[bflag:$0x0] =	sbarrier.arrive $0xFFFF  }
0x3e: {  	s30 =	simm.s32 $0x3;
	[sflag:s2] =	ssyncpa.u1 $0x1  }
0x3f: {  	s31 =	simm.s32 $0x1;
	[sflag:s30] =	ssyncpa.u1 $0x1  }
0x40: {  	[sflag:s31] =	ssyncpa.u1 $0x1  }
0x41: {  	p0 =	sne.s32 s1, $0x0;
	_ =	strace $0x9000004A  }
0x42: {  	s0 =	sadd.s32 @!p0 $0x100000, s0;
	[bflag:$0x2] =	sbarrier.arrive $0xFFFF  }
0x43: {  	[sflag:s0] =	ssyncadd.tile.s32 @!p0 $0x1;
	_ =	shalt  }
.Lfunc_end2:
_tile_overlayer_lowered:
.L_overlay_start_2:
0x44: {  	(tag) =	ssettag $0x2  }
0x45: {  	s0 =	rddreg [dreg:$0x0];
	s2 =	stileid.u32  }
0x46: {  	s1 =	rddreg [dreg:$0x1];
	p0 =	sne.s32 s2, $0x0  }
0x47: {  	s3 =	rddreg [dreg:$0x2];
	[bflag:$0x3] =	sbarrier.arrive $0xFFFF;
	s2 =	simm.s32 @!p0 $0x1C01  }
0x48: {  	[timem:s3], [sflag:s2] =	dma.local @!p0 [hbm:s0], s1  }
0x49: {  	s0 =	simm.s32 @!p0 $0x1  }
0x4a: {  	_ =	swait.ge @!p0 [sflag:s0], s1  }
0x4b: {  	s1 =	ssub.s32 @!p0 $0x0, s1;
	[sflag:s0] =	ssyncset.done @!p0 $0x0  }
0x4c: {  	[sflag:s0] =	ssyncadd.s32 @!p0 s1  }
0x4d: {  	[bflag:$0x3] =	sbarrier.arrive $0xFFFF  }
0x4e: {  	_ =	shalt  }

// kernel: scatter_offload_async_start
scs
__scs_entry_jumppad:
0x0: {  	(pc) =	sbr.rel $0x88, $3  }
0x1: {  	(tag) =	ssettag $0x0;
	lr =	simm.s32 $0x1  }
0x2: {  	[smem:$0x3F9C] =	sst lr;
	_ =	strace $0xD0000000  }
0x3: {  	_ = 	snop  }
0x4: {  	_ = 	snop  }
0x5: {  	_ = 	snop  }
0x6: {  	_ = 	snop  }
0x7: {  	_ = 	snop  }
__scs_overlays_trampoline_lowered:
0x8: {  	[smem:$0x3FAB] =	sst s0  }
0x9: {  	[smem:$0x3FAC] =	sst s1  }
0xa: {  	[smem:$0x3FAD] =	sst s2  }
0xb: {  	[smem:$0x3FAE] =	sst s3  }
0xc: {  	[smem:$0x3FAF] =	sst s4  }
0xd: {  	[smem:$0x3FB0] =	sst s5  }
0xe: {  	[smem:$0x3FB1] =	sst s6  }
0xf: {  	[smem:$0x3FB2] =	sst s7  }
0x10: {  	[smem:$0x3FB3] =	sst s8  }
0x11: {  	[smem:$0x3FB4] =	sst s9;
	s0 =	simm.s32 @!p0 $0x0  }
0x12: {  	s1 =	sld [smem:$0x3F9A];
	s0 =	simm.s32 @p0 $0x1  }
0x13: {  	[smem:$0x3FB5] =	sst s0;
	s0 =	simm.s32 @!p1 $0x0  }
0x14: {  	s2 =	sld [smem:$0x3F99];
	s0 =	simm.s32 @p1 $0x1  }
0x15: {  	[smem:$0x3FB6] =	sst s0;
	s0 =	simm.s32 @!p2 $0x0  }
0x16: {  	s3 =	sld [smem:$0x3FDB];
	s0 =	simm.s32 @p2 $0x1  }
0x17: {  	s4 =	simm.s32 $0x1BF5;
	[smem:$0x3FB8] =	sst s0  }
0x18: {  	s0 =	sld [smem:$0x3F9B];
	_ =	swait.ge [sflag:s4], $0x0  }
0x19: {  	s7 =	sld [smem:$0x3F9C]  }
0x1a: {  	s8 =	sadd.s32 $0xFFFFE003, lr  }
0x1b: {  	s9 =	sadd.s32 $0xFFFFFEF7, lr;
	s5 =	simm.s32 $0xFFFFFFFF;
	p2 =	slt.u32 s8, $0xFFFFF086  }
0x1c: {  	p1 =	slt.u32 s9, $0xF7A;
	s5 =	simm.s32 @!p2 $0x0  }
0x1d: {  	s5 =	simm.s32 @p1 $0x1;
	p0 =	seq.s32 s7, s2  }
0x1e: {  	s7 =	smul.u32 @!p0 $0xF7A, s2;
	p2 =	seq.s32 @!p0 s5, $0x0  }
0x1f: {  	s9 =	smul.u32 $0xF7A, s1;
	s8 =	simm.s32 @!p0 $0x1BF5;
	p2 =	por !p2, p0  }
0x20: {  	[sflag:s8] =	ssyncset.s32 @!p0 $0xFFFFF086;
	s6 =	sadd.s32 @!p0 s3, s7;
	s7 =	simm.s32 @!p0 $0x108  }
0x21: {  	s3 =	sadd.s32 s3, s9;
	s6 =	sadd.s32 @!p0 $0x88, s6;
	s7 =	simm.s32 @p2 $0x1082  }
0x22: {  	[simem:s7], [sflag:s8] =	dma.local @!p0 [hbm:s6], $0xF7A  }
0x23: {  	s9 =	sor.u32 $0xD0000000, s2;
	s6 =	simm.s32 $0x108;
	_ =	swait.ge @!p0 [sflag:s8], $0x0  }
0x24: {  	s3 =	sadd.s32 $0x88, s3;
	s6 =	simm.s32 @!p1 $0x1082;
	[sflag:s4] =	ssyncset.s32 $0xFFFFF086  }
0x25: {  	[simem:s6], [sflag:s4] =	dma.local [hbm:s3], $0xF7A  }
0x26: {  	[smem:$0x3F9C] =	sst s1;
	(tag) =	ssettag s2;
	_ =	strace s9  }
0x27: {  	s1 =	sld [smem:$0x3FAC]  }
0x28: {  	s2 =	sld [smem:$0x3FAD]  }
0x29: {  	s4 =	sld [smem:$0x3FAF]  }
0x2a: {  	p0 =	seq.s32 s5, $0x0;
	s5 =	sld [smem:$0x3FB0]  }
0x2b: {  	s6 =	sld [smem:$0x3FB1]  }
0x2c: {  	s7 =	sld [smem:$0x3FB2]  }
0x2d: {  	s3 =	simm.s32 $0x108;
	s8 =	sld [smem:$0x3FB3]  }
0x2e: {  	s3 =	simm.s32 @!p0 $0x1082;
	s9 =	sld [smem:$0x3FB4]  }
0x2f: {  	lr =	sadd.s32 s0, s3;
	s0 =	sld [smem:$0x3FAB]  }
0x30: {  	s3 =	sld [smem:$0x3FAE]  }
0x31: {  	[smem:$0x3FB7] =	sst s10  }
0x32: {  	s10 =	sld [smem:$0x3FB5];
	_ =	sdelay $0x3  }
0x33: {  	p0 =	seq.s32 s10, $0x1;
	s10 =	sld [smem:$0x3FB7];
	_ =	sdelay $0x3  }
0x34: {  	[smem:$0x3FB7] =	sst s10  }
0x35: {  	s10 =	sld [smem:$0x3FB6];
	_ =	sdelay $0x3  }
0x36: {  	p1 =	seq.s32 s10, $0x1;
	s10 =	sld [smem:$0x3FB7];
	_ =	sdelay $0x3  }
0x37: {  	[smem:$0x3FB7] =	sst s10  }
0x38: {  	s10 =	sld [smem:$0x3FB8]  }
0x39: {  	_ = 	snop;
	(pc) =	sbr.ind lr, $3  }
0x3a: {  	_ = 	snop  }
0x3b: {  	_ = 	snop  }
0x3c: {  	p2 =	seq.s32 s10, $0x1;
	s10 =	sld [smem:$0x3FB7]  }
0x3d: {  	_ =	shalt  }
0x3e: {  	_ =	shalt  }
0x3f: {  	_ =	shalt  }
0x40: {  	_ =	shalt  }
0x41: {  	_ =	shalt  }
0x42: {  	_ =	shalt  }
0x43: {  	_ =	shalt  }
0x44: {  	_ =	shalt  }
0x45: {  	_ =	shalt  }
0x46: {  	_ =	shalt  }
0x47: {  	_ =	shalt  }
0x48: {  	_ =	shalt  }
0x49: {  	_ =	shalt  }
0x4a: {  	_ =	shalt  }
0x4b: {  	_ =	shalt  }
0x4c: {  	_ =	shalt  }
0x4d: {  	_ =	shalt  }
0x4e: {  	_ =	shalt  }
0x4f: {  	_ =	shalt  }
0x50: {  	_ =	shalt  }
0x51: {  	_ =	shalt  }
0x52: {  	_ =	shalt  }
0x53: {  	_ =	shalt  }
0x54: {  	_ =	shalt  }
0x55: {  	_ =	shalt  }
0x56: {  	_ =	shalt  }
0x57: {  	_ =	shalt  }
0x58: {  	_ =	shalt  }
0x59: {  	_ =	shalt  }
0x5a: {  	_ =	shalt  }
0x5b: {  	_ =	shalt  }
0x5c: {  	_ =	shalt  }
0x5d: {  	_ =	shalt  }
0x5e: {  	_ =	shalt  }
0x5f: {  	_ =	shalt  }
0x60: {  	_ =	shalt  }
0x61: {  	_ =	shalt  }
0x62: {  	_ =	shalt  }
0x63: {  	_ =	shalt  }
0x64: {  	_ =	shalt  }
0x65: {  	_ =	shalt  }
0x66: {  	_ =	shalt  }
0x67: {  	_ =	shalt  }
0x68: {  	_ =	shalt  }
0x69: {  	_ =	shalt  }
0x6a: {  	_ =	shalt  }
0x6b: {  	_ =	shalt  }
0x6c: {  	_ =	shalt  }
0x6d: {  	_ =	shalt  }
0x6e: {  	_ =	shalt  }
0x6f: {  	_ =	shalt  }
0x70: {  	_ =	shalt  }
0x71: {  	_ =	shalt  }
0x72: {  	_ =	shalt  }
0x73: {  	_ =	shalt  }
0x74: {  	_ =	shalt  }
0x75: {  	_ =	shalt  }
0x76: {  	_ =	shalt  }
0x77: {  	_ =	shalt  }
0x78: {  	_ =	shalt  }
0x79: {  	_ =	shalt  }
0x7a: {  	_ =	shalt  }
0x7b: {  	_ =	shalt  }
0x7c: {  	_ =	shalt  }
0x7d: {  	_ =	shalt  }
0x7e: {  	_ =	shalt  }
0x7f: {  	_ =	shalt  }
0x80: {  	_ =	shalt  }
0x81: {  	_ =	shalt  }
0x82: {  	_ =	shalt  }
0x83: {  	_ =	shalt  }
0x84: {  	_ =	shalt  }
0x85: {  	_ =	shalt  }
0x86: {  	_ =	shalt  }
0x87: {  	_ =	shalt  }
.Lfunc_end0:
.L_simem_size_0:
called_computation_lowered:
.L_overlay_start_0:
0x88: {  	s0 =	sld [smem:$0x3FD9]  }
0x89: {  	s1 =	sld [smem:$0x3FFE];
	_ =	sdelay $0x3  }
0x8a: {  	s0 =	sadd.s32 s1, s0  }
0x8b: {  	[smem:$0x3FC3] =	sst s0  }
0x8c: {  	_ = 	snop  }
0x8d: {  	(tm) =	ssettm $0x1  }
0x8e: {  	s15 =	sld [smem:$0x3FFB];
	_ =	sdelay $0x3  }
0x8f: {  	_ =	strace s15  }
0x90: {  	s0 =	sld [smem:$0x3FFC];
	_ =	sdelay $0x3  }
0x91: {  	_ =	strace s0  }
0x92: {  	s0 =	sld [smem:$0x3FFD];
	_ =	sdelay $0x3  }
0x93: {  	_ =	strace s0  }
0x94: {  	_ =	strace $0x8FFFFFFF  }
0x95: {  	s16 =	sld [smem:$0x3FDB];
	_ =	sdelay $0x1  }
0x96: {  	s17 =	simm.s32 $_scs_section_size  }
0x97: {  	s2 =	simm.s32 $_size__tile_overlayer_lowered;
	s3 =	simm.s32 $_tile_overlayer_lowered  }
0x98: {  	s20 =	simm.s32 $0x1BFF;
	s19 =	sshll.u32 s3, $0x1;
	s0 =	sadd.s32 s17, s16  }
0x99: {  	s4 =	simm.s32 $0x0;
	s18 =	sshll.u32 s2, $0x1;
	s2 =	sadd.s32 s19, s0  }
0x9a: {  	[timem:s4], [sflag:s20] =	dma.local [hbm:s2], s18  }
0x9b: {  	_ =	swait.ge [sflag:s20], s18  }
0x9c: {  	s1 =	ssub.s32 $0x0, s18;
	[sflag:s20] =	ssyncset.done $0x0  }
0x9d: {  	[sflag:s20] =	ssyncadd.s32 s1;
	_ =	sdelay $0x1  }
0x9e: {  	s21 =	simm.s32 $0x1B8B  }
0x9f: {  	_ =	swait.ge [sflag:s21], $0x1  }
0xa0: {  	[sflag:s21] =	ssyncset.done $0x0  }
0xa1: {  	s23 =	simm.s32 $0x1B8E;
	s22 =	sld [smem:$0x3FFE];
	[sflag:s21] =	ssyncadd.s32 $0xFFFFFFFF  }
0xa2: {  	s24 =	simm.s32 $execute0_lowered;
	[smem:$0x3FD2] =	sst s23  }
0xa3: {  	s2 =	sshll.u32 s24, $0x1;
	_ =	strace $0x80000046;
	[dreg:$0x1] =	wrdreg $0xFFFFFFFF  }
0xa4: {  	s25 =	simm.s32 $_size_execute0_lowered;
	s0 =	sadd.s32 s0, s2;
	[dreg:$0x0] =	wrdreg $0x0  }
0xa5: {  	s2 =	sshll.u32 s25, $0x1;
	[dreg:$0x2] =	wrdreg s0  }
0xa6: {  	[dreg:$0x3] =	wrdreg s2  }
0xa7: {  	[dreg:$0x4] =	wrdreg $0xC0  }
0xa8: {  	_ =	task [dreg:s4], $0x5FFFF  }
0xa9: {  	[dreg:$0x1] =	wrdreg $0xFFFFFFFF  }
0xaa: {  	[dreg:$0x0] =	wrdreg $0x60  }
0xab: {  	[dreg:$0x2] =	wrdreg s22  }
0xac: {  	[dreg:$0x3] =	wrdreg $0x9  }
0xad: {  	_ =	task.clear_ibuf [dreg:s4], $0x4FFFF;
	_ =	strace $0x90000046  }
0xae: {  	s26 =	simm.s32 $0x9;
	_ =	strace $0x80000048  }
0xaf: {  	_ =	swait.ge [sflag:s26], $0x1  }
0xb0: {  	[sflag:s26] =	ssyncadd.s32 $0xFFFFFFFF  }
0xb1: {  	_ =	strace $0x90000048  }
0xb2: {  	_ =	sfence  }
0xb3: {  	s28 =	sld [smem:$0x0];
	_ =	sdelay $0x1  }
0xb4: {  	s29 =	srdreg.scid  }
0xb5: {  	s30 =	sshll.u32 s29, $0xD;
	s31 =	sshrl.u32 s29, $0x2  }
0xb6: {  	s1 =	sand.u32 $0x1, s29;
	s2 =	sand.u32 $0x4000, s30;
	s0 =	sadd.s32 s31, s28  }
0xb7: {  	s1 =	sor.u32 s2, s1;
	s0 =	sshll.u32 s0, $0x11  }
0xb8: {  	s0 =	sor.u32 s0, s1  }
0xb9: {  	s0 =	sadd.s32 $0x8F2B, s0  }
0xba: {  	[sflag:s0] =	ssyncadd.remote.s32 $0x1  }
0xbb: {  	_ =	sfence.sel $0xFFFF  }
0xbc: {  	[dreg:$0x0] =	wrdreg $0xFFFFFFFF;
	(pc) =	sbr.abs _section_cstart, $3  }
0xbd: {  	[dreg:$0x1] =	wrdreg $0xFFFFFFFF  }
0xbe: {  	_ =	task.clear_ibuf [dreg:s4], $0x2FFFF;
	_ =	strace $0x9FFFFFFF  }
0xbf: {  	(tm) =	ssettm $0x7FFFFFFF  }
tec
execute0_lowered:
.L_overlay_start_1:
0x0: {  	(tag) =	ssettag $0x1  }
0x1: {  	s2 =	rddreg [dreg:$0x0]  }
0x2: {  	s0 =	rddreg [dreg:$0x1];
	_ =	strace $0x80000047;
	s3 =	stileid.u32  }
0x3: {  	s4 =	simm.s32 $0x3E;
	s1 =	sadd.s32 $0x1200, s2;
	p0 =	sne.s32 s3, $0x0  }
0x4: {  	[sflag:s4] =	ssyncpa.u1 $0x0;
	s5 =	simm.s32 @!p0 $0x1C3E;
	s6 =	simm.s32 @!p0 $0x0  }
0x5: {  	[spmem:s6], [sflag:s5] =	dma.local @!p0 [hbm:s1], $0x10  }
0x6: {  	s5 =	simm.s32 @!p0 $0x3E  }
0x7: {  	_ =	swait.ge @!p0 [sflag:s5], $0x10  }
0x8: {  	[sflag:s5] =	ssyncset.done @!p0 $0x0  }
0x9: {  	s26 =	simm.s32 $0x1;
	[sflag:s5] =	ssyncadd.s32 @!p0 $0xFFFFFFF0  }
0xa: {  	s29 =	simm.s32 $0x2;
	s7 =	simm.s32 $0x208;
	[bflag:$0x0] =	sbarrier.arrive $0xFFFF  }
0xb: {  	s28 =	sadd.s32 $0xE00, s2;
	s30 =	sadd.s32 $0x1400, s2;
	[sflag:s4] =	ssyncpa.u1 $0x1  }
0xc: {  	s3 =	sshll.u32 s3, $0x6;
	s2 =	simm.s32 $0x0;
	[sflag:s26] =	ssyncpa.u1 $0x0  }
0xd: {  	s4 =	sadd.s32 s28, s3;
	(ifvalue) =	ssetifvalue $0x80;
	[sflag:s29] =	ssyncpa.u1 $0x0  }
0xe: {  	[tilespmem:s7], [sflag:$0x2] =	stream.linear.gather [hbm4b:s4+s2], $0x200, $0x38;
	[tilespmem:$0x808] =	vst v63  }
0xf: {  	s31 =	sadd.s32 s30, s3;
	s3 =	simm.s32 $0x608  }
0x10: {  	[tilespmem:s3], [sflag:$0x2] =	stream.linear.gather [hbm4b:s31+s2], $0x200, $0x38;
	[tilespmem:$0x808] =	vst v63  }
0x11: {  	_ =	swait.ge [sflag:s29], $0x400  }
0x12: {  	[sflag:s29] =	ssyncset.done $0x0  }
0x13: {  	[sflag:s29] =	ssyncadd.s32 $0xFFFFFC00  }
0x14: {  	v0 =	vld.msk [tilespmem:s7+$0x0 ss:$0x1], $0xffff;
	_ =	sdelay $0x4  }
0x15: {  	v0 =	vmin.u32 v0, $0x80;
	_ =	sdelay $0x3  }
0x16: {  	vm0 =	vmmov $0xffff;
	s5 =	simm.s32 $0x218;
	s4 =	simm.s32 $0x0  }
0x17: {  	[spmem:s2] =	stream.indirect_vreg.scatter.add.s32 [tilespmem:s3], [sflag:$0x1], $0x1, v0, vm0, $0x4038;
	[tilespmem:$0x808] =	vst v63  }
.LBB2_1:
0x18: {  	v0 =	vld.msk [tilespmem:s5+$0x0 ss:$0x1], $0xffff;
	s4 =	sadd.s32 $0x10, s4  }
0x19: {  	p1 =	slt.u32 s4, $0x1F0;
	_ =	sdelay $0x4  }
0x1a: {  	v0 =	vmin.u32 v0, $0x80  }
.Ltmp0:
0x1b: {  	(pc) =	sbr.rel @p1 .LBB2_1-.Ltmp0, $3  }
0x1c: {  	_ =	sdelay $0x1  }
0x1d: {  	s5 =	sadd.s32 $0x10, s5;
	s3 =	sadd.s32 $0x10, s3  }
0x1e: {  	[spmem:s2] =	stream.indirect_vreg.scatter.add.s32 [tilespmem:s3], [sflag:$0x1], $0x1, v0, vm0, $0x4038;
	[tilespmem:$0x808] =	vst v63  }
0x1f: {  	s2 =	simm.s32 $0x1  }
0x20: {  	_ =	swait.ge [sflag:s2], $0x200  }
0x21: {  	[sflag:s2] =	ssyncset.done $0x0  }
0x22: {  	[sflag:s2] =	ssyncadd.s32 $0xFFFFFE00  }
0x23: {  	_ =	sfence.sel $0x180000  }
0x24: {  	s3 =	simm.s32 $0x2;
	[bflag:$0x0] =	sbarrier.arrive $0xFFFF  }
0x25: {  	[sflag:s3] =	ssyncpa.u1 $0x1  }
0x26: {  	[sflag:s2] =	ssyncpa.u1 $0x1  }
0x27: {  	_ =	sfence.stream.spmem  }
0x28: {  	s31 =	simm.s32 $0x3D;
	[bflag:$0x0] =	sbarrier.arrive $0xFFFF  }
0x29: {  	s2 =	simm.s32 @p0 $0x3D;
	[sflag:s31] =	ssyncpa.u1 $0x0  }
0x2a: {  	[sflag:s2] =	ssyncpa.u1 @p0 $0x1  }
0x2b: {  	[bflag:$0x0] =	sbarrier.arrive @p0 $0xFFFF  }
0x2c: {  	_ =	strace @p0 $0x90000047  }
0x2d: {  	s3 =	simm.s32 @!p0 $0x1C3D;
	s2 =	simm.s32 @!p0 $0x0;
	[bflag:$0x2] =	sbarrier.arrive @p0 $0xFFFF  }
0x2e: {  	[hbm:s1], [sflag:s3] =	dma.local @!p0 [spmem:s2], $0x10  }
0x2f: {  	s1 =	simm.s32 @!p0 $0x3D  }
0x30: {  	_ =	swait.ge @!p0 [sflag:s1], $0x10  }
0x31: {  	[sflag:s1] =	ssyncset.done @!p0 $0x0  }
0x32: {  	[sflag:s1] =	ssyncadd.s32 @!p0 $0xFFFFFFF0  }
0x33: {  	[sflag:s1] =	ssyncpa.u1 @!p0 $0x1  }
0x34: {  	[bflag:$0x0] =	sbarrier.arrive @!p0 $0xFFFF  }
0x35: {  	_ =	strace @!p0 $0x90000047  }
0x36: {  	s0 =	sadd.s32 @!p0 $0x100000, s0;
	[bflag:$0x2] =	sbarrier.arrive @!p0 $0xFFFF  }
0x37: {  	[sflag:s0] =	ssyncadd.tile.s32 @!p0 $0x1;
	_ =	shalt  }
.Lfunc_end2:
_tile_overlayer_lowered:
.L_overlay_start_2:
0x38: {  	(tag) =	ssettag $0x2  }
0x39: {  	s0 =	rddreg [dreg:$0x0];
	s2 =	stileid.u32  }
0x3a: {  	s1 =	rddreg [dreg:$0x1];
	p0 =	sne.s32 s2, $0x0  }
0x3b: {  	s3 =	rddreg [dreg:$0x2];
	[bflag:$0x3] =	sbarrier.arrive $0xFFFF;
	s2 =	simm.s32 @!p0 $0x1C01  }
0x3c: {  	[timem:s3], [sflag:s2] =	dma.local @!p0 [hbm:s0], s1  }
0x3d: {  	s0 =	simm.s32 @!p0 $0x1  }
0x3e: {  	_ =	swait.ge @!p0 [sflag:s0], s1  }
0x3f: {  	s1 =	ssub.s32 @!p0 $0x0, s1;
	[sflag:s0] =	ssyncset.done @!p0 $0x0  }
0x40: {  	[sflag:s0] =	ssyncadd.s32 @!p0 s1  }
0x41: {  	[bflag:$0x3] =	sbarrier.arrive $0xFFFF  }
0x42: {  	_ =	shalt  }

</sc_bundles>
